<compile_context>
chip_gen: v7x
topology: tpu7x:2x2x1
jax: 0.10.2.dev20260603
libtpu: 0.0.44.dev20260713+nightly
codegen_flags: <defaults>
</compile_context>

<pallas_src>
import functools

import jax
import jax.numpy as jnp
from jax import lax
from jax.experimental import pallas as pl
from jax.experimental.pallas import tpu as pltpu
from jax.experimental.pallas import tpu_sc as plsc

N_CLS = 1000
N_CTX = 16
D = 512
LN = 128
SL = D // LN
SEQ = 77
TOK = SEQ - 1
HDR = 1 + N_CTX
ROWS = HDR + TOK
CB = N_CLS // 8
SEG = CB
HSEG = HDR * SL * 8
GSEG = TOK * SL * 8
NC, NS = 2, 16
NW = NC * NS
HPW = HSEG // NW
GPW = GSEG // NW
NBUF = 4


@functools.partial(
    pl.kernel,
    out_type=jax.ShapeDtypeStruct((ROWS * N_CLS * SL, LN), jnp.float32),
    mesh=plsc.VectorSubcoreMesh(
        core_axis_name="c", subcore_axis_name="s",
        num_cores=NC, num_subcores=NS,
    ),
    scratch_types=[
        pltpu.VMEM((HPW, SEG), jnp.int32),
        pltpu.VMEM((GPW, SEG), jnp.int32),
        [pltpu.VMEM((SEG, LN), jnp.float32) for _ in range(NBUF)],
        [pltpu.SemaphoreType.DMA for _ in range(NBUF)],
        [pltpu.SemaphoreType.DMA for _ in range(NBUF)],
    ],
    compiler_params=pltpu.CompilerParams(use_tc_tiling_on_sc=False),
)
def _prompt_assemble(hidx_hbm, gidx_hbm, hsrc_hbm, emb_hbm, out_hbm,
                     hidx_v, gidx_v, bufs, sem_in, sem_out):
    wid = lax.axis_index("s") * NC + lax.axis_index("c")
    hbase = wid * HPW
    gbase = wid * GPW

    def gstart(b, src, idx_row):
        pltpu.make_async_copy(src.at[idx_row], bufs[b], sem_in[b]).start()

    def gwait(b, src, slab):
        pltpu.make_async_copy(src.at[slab.at[0]], bufs[b], sem_in[b]).wait()

    def sstart(b, seg):
        pltpu.make_async_copy(bufs[b], out_hbm.at[pl.ds(seg * SEG, SEG)],
                              sem_out[b]).start()

    def swait(b):
        pltpu.make_async_copy(bufs[b], out_hbm.at[pl.ds(0, SEG)],
                              sem_out[b]).wait()

    pltpu.sync_copy(hidx_hbm.at[pl.ds(hbase, HPW)], hidx_v)
    pltpu.sync_copy(gidx_hbm.at[pl.ds(gbase, GPW)], gidx_v)

    for b in range(NBUF):
        gstart(b, hsrc_hbm, hidx_v.at[b])
    for b in range(NBUF):
        gwait(b, hsrc_hbm, hidx_v)
        sstart(b, hbase + b)

    def hbody(g, carry):
        for b in range(NBUF):
            swait(b)
            gstart(b, hsrc_hbm, hidx_v.at[NBUF * g + b])
        for b in range(NBUF):
            gwait(b, hsrc_hbm, hidx_v)
            sstart(b, hbase + NBUF * g + b)
        return carry

    lax.fori_loop(1, HPW // NBUF, hbody, 0)

    swait(0)
    gstart(0, hsrc_hbm, hidx_v.at[HPW - 1])
    gwait(0, hsrc_hbm, hidx_v)
    sstart(0, hbase + HPW - 1)

    def gbody(g, carry):
        for b in range(NBUF):
            swait(b)
            gstart(b, emb_hbm, gidx_v.at[NBUF * g + b])
        for b in range(NBUF):
            gwait(b, emb_hbm, gidx_v)
            sstart(b, HSEG + gbase + NBUF * g + b)
        return carry

    lax.fori_loop(0, GPW // NBUF, gbody, 0)

    for b in range(NBUF):
        swait(b)


def kernel(tokenized_text, token_embedding, ctx, token_prefix):
    vocab = token_embedding.shape[0]
    i4 = jnp.arange(SL, dtype=jnp.int32)

    t = tokenized_text[:, 1:].astype(jnp.int32)
    tb = t.T.reshape(TOK, CB, 1, 8)
    gidx = (tb * SL + i4.reshape(1, 1, SL, 1)).reshape(GSEG, SEG)

    hsrc = jnp.concatenate([ctx[0].reshape(N_CTX * SL, LN),
                            token_prefix.reshape(N_CLS * SL, LN)], axis=0)
    c_ids = jnp.arange(N_CLS, dtype=jnp.int32).reshape(CB, 1, 8)
    p0 = N_CTX * SL + SL * c_ids + i4.reshape(1, SL, 1)
    j_ids = jnp.arange(N_CTX, dtype=jnp.int32).reshape(N_CTX, 1, 1, 1)
    pj = jnp.broadcast_to(SL * j_ids + i4.reshape(1, 1, SL, 1),
                          (N_CTX, CB, SL, 8))
    hidx = jnp.concatenate([p0.reshape(1, CB, SL, 8), pj],
                           axis=0).reshape(HSEG, SEG)

    emb2 = token_embedding.reshape(vocab * SL, LN)
    out = _prompt_assemble(hidx, gidx, hsrc, emb2)
    return (out.reshape(ROWS, CB, SL, 8, LN)
               .transpose(1, 3, 0, 2, 4)
               .reshape(N_CLS, ROWS, D))

# --- scband reference (transcript-rebuilt; emitter-appended) ---
"""Pipeline reference for scband-prompt-learner-36215164240497 (READ-ONLY COPY).

The authoritative reference and input builder live on the scoring server;
editing this copy changes nothing except your own understanding.
"""

import jax, jax.numpy as jnp
import numpy as np

N_CLS = 1000
N_CTX = 16
CTX_DIM = 512
VOCAB = 49408
SEQ = 77

def setup_inputs(seed: int = 0) -> dict:
    key = jax.random.key(seed)
    k1, k2, k3, k4 = jax.random.split(key, 4)
    tokenized_text = jax.random.randint(k1, (N_CLS, SEQ), 0, VOCAB, dtype=jnp.int64 if jax.config.jax_enable_x64 else jnp.int32)
    token_embedding = jax.random.normal(k2, (VOCAB, CTX_DIM), dtype=jnp.float32) * 0.02
    ctx = jax.random.normal(k3, (N_CLS, N_CTX, CTX_DIM), dtype=jnp.float32) * 0.02
    token_prefix = jax.random.normal(k4, (N_CLS, 1, CTX_DIM), dtype=jnp.float32) * 0.02
    return {"tokenized_text": tokenized_text, "token_embedding": token_embedding, "ctx": ctx, "token_prefix": token_prefix}

def reference(tokenized_text, token_embedding, ctx, token_prefix):
    # text_embedding = self.token_embedding(tokenized_text)
    text_embedding = jnp.take(token_embedding, tokenized_text, axis=0)
    # ctx = self.ctx[0]; if 2D -> expand to (n_cls, n_ctx, ctx_dim)
    c = ctx[0]
    c = jnp.broadcast_to(c[None, :, :], (N_CLS, c.shape[0], c.shape[1]))
    # query_position == 'end': concat(prefix, ctx, text_embedding[:, 1:, :])
    prompts = jnp.concatenate([token_prefix, c, text_embedding[:, 1:, :]], axis=1)
    return prompts

if __name__ == "__main__":
    import jax
    _d = setup_inputs()
    print(jax.jit(kernel)(*tuple(_d.values())))

</pallas_src>

<mosaic_0001>
#map = affine_map<(d0, d1) -> (0, 0)>
module attributes {stable_mosaic.version = 14 : i64} {
  func.func @_prompt_assemble(%arg0: i32, %arg1: i32, %arg2: memref<544x125xi32, #tpu.memory_space<hbm>>, %arg3: memref<2432x125xi32, #tpu.memory_space<hbm>>, %arg4: memref<4064x128xf32, #tpu.memory_space<hbm>>, %arg5: memref<197632x128xf32, #tpu.memory_space<hbm>>, %arg6: memref<372000x128xf32, #tpu.memory_space<hbm>>, %arg7: memref<17x125xi32, #tpu.memory_space<vmem>>, %arg8: memref<76x125xi32, #tpu.memory_space<vmem>>, %arg9: memref<125x128xf32, #tpu.memory_space<vmem>>, %arg10: memref<125x128xf32, #tpu.memory_space<vmem>>, %arg11: memref<125x128xf32, #tpu.memory_space<vmem>>, %arg12: memref<125x128xf32, #tpu.memory_space<vmem>>, %arg13: memref<!tpu.dma_semaphore, #tpu.memory_space<semaphore_mem>>, %arg14: memref<!tpu.dma_semaphore, #tpu.memory_space<semaphore_mem>>, %arg15: memref<!tpu.dma_semaphore, #tpu.memory_space<semaphore_mem>>, %arg16: memref<!tpu.dma_semaphore, #tpu.memory_space<semaphore_mem>>, %arg17: memref<!tpu.dma_semaphore, #tpu.memory_space<semaphore_mem>>, %arg18: memref<!tpu.dma_semaphore, #tpu.memory_space<semaphore_mem>>, %arg19: memref<!tpu.dma_semaphore, #tpu.memory_space<semaphore_mem>>, %arg20: memref<!tpu.dma_semaphore, #tpu.memory_space<semaphore_mem>>) attributes {dimension_semantics = [#tpu.dimension_semantics<core_parallel>, #tpu.dimension_semantics<subcore_parallel>], iteration_bounds = array<i64: 2, 16>, scalar_prefetch = 0 : i64, scratch_operands = 14 : i64, tpu.core_type = #tpu.core_type<sc_vector_subcore>, window_params = [{transform_indices = #map}, {transform_indices = #map}, {transform_indices = #map}, {transform_indices = #map}, {transform_indices = #map}]} {
    %mul3A = arith.constant 2 : i32
    %mul3A_0 = arith.muli %arg1, %mul3A : i32
    %add3A = arith.addi %mul3A_0, %arg0 : i32
    %mul3A_1 = arith.constant 17 : i32
    %mul3A_2 = arith.muli %add3A, %mul3A_1 : i32
    %mul3A_3 = arith.constant 76 : i32
    %mul3A_4 = arith.muli %add3A, %mul3A_3 : i32
    "tpu.region"() ({
      %run_scoped3A = tpu.sem_alloc : memref<!tpu.dma_semaphore, #tpu.memory_space<semaphore_mem>>
      %dma_start3A_155 = arith.constant 0 : i32
      %dma_start3A_156 = tpu.memref_slice %arg2[%mul3A_2, %dma_start3A_155] : memref<544x125xi32, #tpu.memory_space<hbm>> -> memref<17x125xi32, #tpu.memory_space<hbm>>
      %dma_start3A_157 = arith.constant 0 : i32
      %dma_start3A_158 = tpu.memref_slice %arg2[%mul3A_2, %dma_start3A_157] : memref<544x125xi32, #tpu.memory_space<hbm>> -> memref<17x125xi32, #tpu.memory_space<hbm>>
      tpu.enqueue_dma source(%dma_start3A_158 : memref<17x125xi32, #tpu.memory_space<hbm>>) target(%arg7 : memref<17x125xi32, #tpu.memory_space<vmem>>) target_semaphore(%run_scoped3A : memref<!tpu.dma_semaphore, #tpu.memory_space<semaphore_mem>>)
      %dma_wait3A_159 = arith.constant 0 : i32
      %dma_wait3A_160 = tpu.memref_slice %arg2[%mul3A_2, %dma_wait3A_159] : memref<544x125xi32, #tpu.memory_space<hbm>> -> memref<17x125xi32, #tpu.memory_space<hbm>>
      %dma_wait3A_161 = arith.constant 0 : i32
      %dma_wait3A_162 = tpu.memref_slice %arg2[%mul3A_2, %dma_wait3A_161] : memref<544x125xi32, #tpu.memory_space<hbm>> -> memref<17x125xi32, #tpu.memory_space<hbm>>
      tpu.wait_dma2 semaphore(%run_scoped3A : memref<!tpu.dma_semaphore, #tpu.memory_space<semaphore_mem>>) src(%dma_wait3A_162 : memref<17x125xi32, #tpu.memory_space<hbm>>) dst(%arg7 : memref<17x125xi32, #tpu.memory_space<vmem>>)
      tpu.yield
    }) : () -> ()
    "tpu.region"() ({
      %run_scoped3A = tpu.sem_alloc : memref<!tpu.dma_semaphore, #tpu.memory_space<semaphore_mem>>
      %dma_start3A_155 = arith.constant 0 : i32
      %dma_start3A_156 = tpu.memref_slice %arg3[%mul3A_4, %dma_start3A_155] : memref<2432x125xi32, #tpu.memory_space<hbm>> -> memref<76x125xi32, #tpu.memory_space<hbm>>
      %dma_start3A_157 = arith.constant 0 : i32
      %dma_start3A_158 = tpu.memref_slice %arg3[%mul3A_4, %dma_start3A_157] : memref<2432x125xi32, #tpu.memory_space<hbm>> -> memref<76x125xi32, #tpu.memory_space<hbm>>
      tpu.enqueue_dma source(%dma_start3A_158 : memref<76x125xi32, #tpu.memory_space<hbm>>) target(%arg8 : memref<76x125xi32, #tpu.memory_space<vmem>>) target_semaphore(%run_scoped3A : memref<!tpu.dma_semaphore, #tpu.memory_space<semaphore_mem>>)
      %dma_wait3A_159 = arith.constant 0 : i32
      %dma_wait3A_160 = tpu.memref_slice %arg3[%mul3A_4, %dma_wait3A_159] : memref<2432x125xi32, #tpu.memory_space<hbm>> -> memref<76x125xi32, #tpu.memory_space<hbm>>
      %dma_wait3A_161 = arith.constant 0 : i32
      %dma_wait3A_162 = tpu.memref_slice %arg3[%mul3A_4, %dma_wait3A_161] : memref<2432x125xi32, #tpu.memory_space<hbm>> -> memref<76x125xi32, #tpu.memory_space<hbm>>
      tpu.wait_dma2 semaphore(%run_scoped3A : memref<!tpu.dma_semaphore, #tpu.memory_space<semaphore_mem>>) src(%dma_wait3A_162 : memref<76x125xi32, #tpu.memory_space<hbm>>) dst(%arg8 : memref<76x125xi32, #tpu.memory_space<vmem>>)
      tpu.yield
    }) : () -> ()
    %dma_start3A = arith.constant 0 : i32
    %dma_start3A_5 = arith.constant 0 : i32
    %dma_start3A_6 = tpu.memref_slice %arg7[%dma_start3A, %dma_start3A_5] : memref<17x125xi32, #tpu.memory_space<vmem>> -> memref<1x125xi32, #tpu.memory_space<vmem>>
    %dma_start3A_7 = tpu.memref_squeeze %dma_start3A_6 : memref<1x125xi32, #tpu.memory_space<vmem>> -> memref<125xi32, #tpu.memory_space<vmem>>
    %dma_start3A_8 = arith.constant 0 : i32
    %dma_start3A_9 = arith.constant 0 : i32
    %dma_start3A_10 = tpu.memref_slice %arg4[%dma_start3A_8, %dma_start3A_9] : memref<4064x128xf32, #tpu.memory_space<hbm>> -> memref<4064x128xf32, #tpu.memory_space<hbm>>
    tpu.enqueue_indirect_dma source(%dma_start3A_10 : memref<4064x128xf32, #tpu.memory_space<hbm>>) target(%arg9 : memref<125x128xf32, #tpu.memory_space<vmem>>) offsets(%dma_start3A_7 : memref<125xi32, #tpu.memory_space<vmem>>) semaphore(%arg13 : memref<!tpu.dma_semaphore, #tpu.memory_space<semaphore_mem>>)
    %dma_start3A_11 = arith.constant 1 : i32
    %dma_start3A_12 = arith.constant 0 : i32
    %dma_start3A_13 = tpu.memref_slice %arg7[%dma_start3A_11, %dma_start3A_12] : memref<17x125xi32, #tpu.memory_space<vmem>> -> memref<1x125xi32, #tpu.memory_space<vmem>>
    %dma_start3A_14 = tpu.memref_squeeze %dma_start3A_13 : memref<1x125xi32, #tpu.memory_space<vmem>> -> memref<125xi32, #tpu.memory_space<vmem>>
    %dma_start3A_15 = arith.constant 0 : i32
    %dma_start3A_16 = arith.constant 0 : i32
    %dma_start3A_17 = tpu.memref_slice %arg4[%dma_start3A_15, %dma_start3A_16] : memref<4064x128xf32, #tpu.memory_space<hbm>> -> memref<4064x128xf32, #tpu.memory_space<hbm>>
    tpu.enqueue_indirect_dma source(%dma_start3A_17 : memref<4064x128xf32, #tpu.memory_space<hbm>>) target(%arg10 : memref<125x128xf32, #tpu.memory_space<vmem>>) offsets(%dma_start3A_14 : memref<125xi32, #tpu.memory_space<vmem>>) semaphore(%arg14 : memref<!tpu.dma_semaphore, #tpu.memory_space<semaphore_mem>>)
    %dma_start3A_18 = arith.constant 2 : i32
    %dma_start3A_19 = arith.constant 0 : i32
    %dma_start3A_20 = tpu.memref_slice %arg7[%dma_start3A_18, %dma_start3A_19] : memref<17x125xi32, #tpu.memory_space<vmem>> -> memref<1x125xi32, #tpu.memory_space<vmem>>
    %dma_start3A_21 = tpu.memref_squeeze %dma_start3A_20 : memref<1x125xi32, #tpu.memory_space<vmem>> -> memref<125xi32, #tpu.memory_space<vmem>>
    %dma_start3A_22 = arith.constant 0 : i32
    %dma_start3A_23 = arith.constant 0 : i32
    %dma_start3A_24 = tpu.memref_slice %arg4[%dma_start3A_22, %dma_start3A_23] : memref<4064x128xf32, #tpu.memory_space<hbm>> -> memref<4064x128xf32, #tpu.memory_space<hbm>>
    tpu.enqueue_indirect_dma source(%dma_start3A_24 : memref<4064x128xf32, #tpu.memory_space<hbm>>) target(%arg11 : memref<125x128xf32, #tpu.memory_space<vmem>>) offsets(%dma_start3A_21 : memref<125xi32, #tpu.memory_space<vmem>>) semaphore(%arg15 : memref<!tpu.dma_semaphore, #tpu.memory_space<semaphore_mem>>)
    %dma_start3A_25 = arith.constant 3 : i32
    %dma_start3A_26 = arith.constant 0 : i32
    %dma_start3A_27 = tpu.memref_slice %arg7[%dma_start3A_25, %dma_start3A_26] : memref<17x125xi32, #tpu.memory_space<vmem>> -> memref<1x125xi32, #tpu.memory_space<vmem>>
    %dma_start3A_28 = tpu.memref_squeeze %dma_start3A_27 : memref<1x125xi32, #tpu.memory_space<vmem>> -> memref<125xi32, #tpu.memory_space<vmem>>
    %dma_start3A_29 = arith.constant 0 : i32
    %dma_start3A_30 = arith.constant 0 : i32
    %dma_start3A_31 = tpu.memref_slice %arg4[%dma_start3A_29, %dma_start3A_30] : memref<4064x128xf32, #tpu.memory_space<hbm>> -> memref<4064x128xf32, #tpu.memory_space<hbm>>
    tpu.enqueue_indirect_dma source(%dma_start3A_31 : memref<4064x128xf32, #tpu.memory_space<hbm>>) target(%arg12 : memref<125x128xf32, #tpu.memory_space<vmem>>) offsets(%dma_start3A_28 : memref<125xi32, #tpu.memory_space<vmem>>) semaphore(%arg16 : memref<!tpu.dma_semaphore, #tpu.memory_space<semaphore_mem>>)
    %dma_wait3A = arith.constant 0 : i32
    %dma_wait3A_32 = arith.constant 0 : i32
    %dma_wait3A_33 = tpu.memref_slice %arg7[%dma_wait3A, %dma_wait3A_32] : memref<17x125xi32, #tpu.memory_space<vmem>> -> memref<1x125xi32, #tpu.memory_space<vmem>>
    %dma_wait3A_34 = tpu.memref_squeeze %dma_wait3A_33 : memref<1x125xi32, #tpu.memory_space<vmem>> -> memref<125xi32, #tpu.memory_space<vmem>>
    %dma_wait3A_35 = arith.constant 0 : i32
    %dma_wait3A_36 = arith.constant 0 : i32
    %dma_wait3A_37 = tpu.memref_slice %arg4[%dma_wait3A_35, %dma_wait3A_36] : memref<4064x128xf32, #tpu.memory_space<hbm>> -> memref<4064x128xf32, #tpu.memory_space<hbm>>
    tpu.wait_indirect_dma semaphore(%arg13 : memref<!tpu.dma_semaphore, #tpu.memory_space<semaphore_mem>>) src(%dma_wait3A_37 : memref<4064x128xf32, #tpu.memory_space<hbm>>) dst(%arg9 : memref<125x128xf32, #tpu.memory_space<vmem>>)
    %add3A_38 = arith.constant 0 : i32
    %add3A_39 = arith.addi %mul3A_2, %add3A_38 : i32
    %mul3A_40 = arith.constant 125 : i32
    %mul3A_41 = arith.muli %add3A_39, %mul3A_40 : i32
    %dma_start3A_42 = arith.constant 0 : i32
    %dma_start3A_43 = tpu.memref_slice %arg6[%mul3A_41, %dma_start3A_42] : memref<372000x128xf32, #tpu.memory_space<hbm>> -> memref<125x128xf32, #tpu.memory_space<hbm>>
    %dma_start3A_44 = arith.constant 0 : i32
    %dma_start3A_45 = tpu.memref_slice %arg6[%mul3A_41, %dma_start3A_44] : memref<372000x128xf32, #tpu.memory_space<hbm>> -> memref<125x128xf32, #tpu.memory_space<hbm>>
    tpu.enqueue_dma source(%arg9 : memref<125x128xf32, #tpu.memory_space<vmem>>) target(%dma_start3A_45 : memref<125x128xf32, #tpu.memory_space<hbm>>) target_semaphore(%arg17 : memref<!tpu.dma_semaphore, #tpu.memory_space<semaphore_mem>>)
    %dma_wait3A_46 = arith.constant 0 : i32
    %dma_wait3A_47 = arith.constant 0 : i32
    %dma_wait3A_48 = tpu.memref_slice %arg7[%dma_wait3A_46, %dma_wait3A_47] : memref<17x125xi32, #tpu.memory_space<vmem>> -> memref<1x125xi32, #tpu.memory_space<vmem>>
    %dma_wait3A_49 = tpu.memref_squeeze %dma_wait3A_48 : memref<1x125xi32, #tpu.memory_space<vmem>> -> memref<125xi32, #tpu.memory_space<vmem>>
    %dma_wait3A_50 = arith.constant 0 : i32
    %dma_wait3A_51 = arith.constant 0 : i32
    %dma_wait3A_52 = tpu.memref_slice %arg4[%dma_wait3A_50, %dma_wait3A_51] : memref<4064x128xf32, #tpu.memory_space<hbm>> -> memref<4064x128xf32, #tpu.memory_space<hbm>>
    tpu.wait_indirect_dma semaphore(%arg14 : memref<!tpu.dma_semaphore, #tpu.memory_space<semaphore_mem>>) src(%dma_wait3A_52 : memref<4064x128xf32, #tpu.memory_space<hbm>>) dst(%arg10 : memref<125x128xf32, #tpu.memory_space<vmem>>)
    %add3A_53 = arith.constant 1 : i32
    %add3A_54 = arith.addi %mul3A_2, %add3A_53 : i32
    %mul3A_55 = arith.constant 125 : i32
    %mul3A_56 = arith.muli %add3A_54, %mul3A_55 : i32
    %dma_start3A_57 = arith.constant 0 : i32
    %dma_start3A_58 = tpu.memref_slice %arg6[%mul3A_56, %dma_start3A_57] : memref<372000x128xf32, #tpu.memory_space<hbm>> -> memref<125x128xf32, #tpu.memory_space<hbm>>
    %dma_start3A_59 = arith.constant 0 : i32
    %dma_start3A_60 = tpu.memref_slice %arg6[%mul3A_56, %dma_start3A_59] : memref<372000x128xf32, #tpu.memory_space<hbm>> -> memref<125x128xf32, #tpu.memory_space<hbm>>
    tpu.enqueue_dma source(%arg10 : memref<125x128xf32, #tpu.memory_space<vmem>>) target(%dma_start3A_60 : memref<125x128xf32, #tpu.memory_space<hbm>>) target_semaphore(%arg18 : memref<!tpu.dma_semaphore, #tpu.memory_space<semaphore_mem>>)
    %dma_wait3A_61 = arith.constant 0 : i32
    %dma_wait3A_62 = arith.constant 0 : i32
    %dma_wait3A_63 = tpu.memref_slice %arg7[%dma_wait3A_61, %dma_wait3A_62] : memref<17x125xi32, #tpu.memory_space<vmem>> -> memref<1x125xi32, #tpu.memory_space<vmem>>
    %dma_wait3A_64 = tpu.memref_squeeze %dma_wait3A_63 : memref<1x125xi32, #tpu.memory_space<vmem>> -> memref<125xi32, #tpu.memory_space<vmem>>
    %dma_wait3A_65 = arith.constant 0 : i32
    %dma_wait3A_66 = arith.constant 0 : i32
    %dma_wait3A_67 = tpu.memref_slice %arg4[%dma_wait3A_65, %dma_wait3A_66] : memref<4064x128xf32, #tpu.memory_space<hbm>> -> memref<4064x128xf32, #tpu.memory_space<hbm>>
    tpu.wait_indirect_dma semaphore(%arg15 : memref<!tpu.dma_semaphore, #tpu.memory_space<semaphore_mem>>) src(%dma_wait3A_67 : memref<4064x128xf32, #tpu.memory_space<hbm>>) dst(%arg11 : memref<125x128xf32, #tpu.memory_space<vmem>>)
    %add3A_68 = arith.constant 2 : i32
    %add3A_69 = arith.addi %mul3A_2, %add3A_68 : i32
    %mul3A_70 = arith.constant 125 : i32
    %mul3A_71 = arith.muli %add3A_69, %mul3A_70 : i32
    %dma_start3A_72 = arith.constant 0 : i32
    %dma_start3A_73 = tpu.memref_slice %arg6[%mul3A_71, %dma_start3A_72] : memref<372000x128xf32, #tpu.memory_space<hbm>> -> memref<125x128xf32, #tpu.memory_space<hbm>>
    %dma_start3A_74 = arith.constant 0 : i32
    %dma_start3A_75 = tpu.memref_slice %arg6[%mul3A_71, %dma_start3A_74] : memref<372000x128xf32, #tpu.memory_space<hbm>> -> memref<125x128xf32, #tpu.memory_space<hbm>>
    tpu.enqueue_dma source(%arg11 : memref<125x128xf32, #tpu.memory_space<vmem>>) target(%dma_start3A_75 : memref<125x128xf32, #tpu.memory_space<hbm>>) target_semaphore(%arg19 : memref<!tpu.dma_semaphore, #tpu.memory_space<semaphore_mem>>)
    %dma_wait3A_76 = arith.constant 0 : i32
    %dma_wait3A_77 = arith.constant 0 : i32
    %dma_wait3A_78 = tpu.memref_slice %arg7[%dma_wait3A_76, %dma_wait3A_77] : memref<17x125xi32, #tpu.memory_space<vmem>> -> memref<1x125xi32, #tpu.memory_space<vmem>>
    %dma_wait3A_79 = tpu.memref_squeeze %dma_wait3A_78 : memref<1x125xi32, #tpu.memory_space<vmem>> -> memref<125xi32, #tpu.memory_space<vmem>>
    %dma_wait3A_80 = arith.constant 0 : i32
    %dma_wait3A_81 = arith.constant 0 : i32
    %dma_wait3A_82 = tpu.memref_slice %arg4[%dma_wait3A_80, %dma_wait3A_81] : memref<4064x128xf32, #tpu.memory_space<hbm>> -> memref<4064x128xf32, #tpu.memory_space<hbm>>
    tpu.wait_indirect_dma semaphore(%arg16 : memref<!tpu.dma_semaphore, #tpu.memory_space<semaphore_mem>>) src(%dma_wait3A_82 : memref<4064x128xf32, #tpu.memory_space<hbm>>) dst(%arg12 : memref<125x128xf32, #tpu.memory_space<vmem>>)
    %add3A_83 = arith.constant 3 : i32
    %add3A_84 = arith.addi %mul3A_2, %add3A_83 : i32
    %mul3A_85 = arith.constant 125 : i32
    %mul3A_86 = arith.muli %add3A_84, %mul3A_85 : i32
    %dma_start3A_87 = arith.constant 0 : i32
    %dma_start3A_88 = tpu.memref_slice %arg6[%mul3A_86, %dma_start3A_87] : memref<372000x128xf32, #tpu.memory_space<hbm>> -> memref<125x128xf32, #tpu.memory_space<hbm>>
    %dma_start3A_89 = arith.constant 0 : i32
    %dma_start3A_90 = tpu.memref_slice %arg6[%mul3A_86, %dma_start3A_89] : memref<372000x128xf32, #tpu.memory_space<hbm>> -> memref<125x128xf32, #tpu.memory_space<hbm>>
    tpu.enqueue_dma source(%arg12 : memref<125x128xf32, #tpu.memory_space<vmem>>) target(%dma_start3A_90 : memref<125x128xf32, #tpu.memory_space<hbm>>) target_semaphore(%arg20 : memref<!tpu.dma_semaphore, #tpu.memory_space<semaphore_mem>>)
    %scan3A = arith.constant 0 : i32
    %scan3A_91 = arith.constant 1 : i32
    %scan3A_92 = arith.constant 3 : i32
    %scan3A_93 = arith.addi %scan3A_91, %scan3A_92 : i32
    %scan3A_94 = arith.constant 1 : i32
    scf.for %scan3A_155 = %scan3A_91 to %scan3A_93 step %scan3A_94  : i32 {
      %dma_wait3A_156 = arith.constant 0 : i32
      %dma_wait3A_157 = arith.constant 0 : i32
      %dma_wait3A_158 = tpu.memref_slice %arg6[%dma_wait3A_156, %dma_wait3A_157] : memref<372000x128xf32, #tpu.memory_space<hbm>> -> memref<125x128xf32, #tpu.memory_space<hbm>>
      %dma_wait3A_159 = arith.constant 0 : i32
      %dma_wait3A_160 = arith.constant 0 : i32
      %dma_wait3A_161 = tpu.memref_slice %arg6[%dma_wait3A_159, %dma_wait3A_160] : memref<372000x128xf32, #tpu.memory_space<hbm>> -> memref<125x128xf32, #tpu.memory_space<hbm>>
      tpu.wait_dma2 semaphore(%arg17 : memref<!tpu.dma_semaphore, #tpu.memory_space<semaphore_mem>>) src(%arg9 : memref<125x128xf32, #tpu.memory_space<vmem>>) dst(%dma_wait3A_161 : memref<125x128xf32, #tpu.memory_space<hbm>>)
      %mul3A_162 = arith.constant 4 : i32
      %mul3A_163 = arith.muli %mul3A_162, %scan3A_155 : i32
      %add3A_164 = arith.constant 0 : i32
      %add3A_165 = arith.addi %mul3A_163, %add3A_164 : i32
      %dma_start3A_166 = arith.constant 0 : i32
      %dma_start3A_167 = tpu.memref_slice %arg7[%add3A_165, %dma_start3A_166] : memref<17x125xi32, #tpu.memory_space<vmem>> -> memref<1x125xi32, #tpu.memory_space<vmem>>
      %dma_start3A_168 = tpu.memref_squeeze %dma_start3A_167 : memref<1x125xi32, #tpu.memory_space<vmem>> -> memref<125xi32, #tpu.memory_space<vmem>>
      %dma_start3A_169 = arith.constant 0 : i32
      %dma_start3A_170 = arith.constant 0 : i32
      %dma_start3A_171 = tpu.memref_slice %arg4[%dma_start3A_169, %dma_start3A_170] : memref<4064x128xf32, #tpu.memory_space<hbm>> -> memref<4064x128xf32, #tpu.memory_space<hbm>>
      tpu.enqueue_indirect_dma source(%dma_start3A_171 : memref<4064x128xf32, #tpu.memory_space<hbm>>) target(%arg9 : memref<125x128xf32, #tpu.memory_space<vmem>>) offsets(%dma_start3A_168 : memref<125xi32, #tpu.memory_space<vmem>>) semaphore(%arg13 : memref<!tpu.dma_semaphore, #tpu.memory_space<semaphore_mem>>)
      %dma_wait3A_172 = arith.constant 0 : i32
      %dma_wait3A_173 = arith.constant 0 : i32
      %dma_wait3A_174 = tpu.memref_slice %arg6[%dma_wait3A_172, %dma_wait3A_173] : memref<372000x128xf32, #tpu.memory_space<hbm>> -> memref<125x128xf32, #tpu.memory_space<hbm>>
      %dma_wait3A_175 = arith.constant 0 : i32
      %dma_wait3A_176 = arith.constant 0 : i32
      %dma_wait3A_177 = tpu.memref_slice %arg6[%dma_wait3A_175, %dma_wait3A_176] : memref<372000x128xf32, #tpu.memory_space<hbm>> -> memref<125x128xf32, #tpu.memory_space<hbm>>
      tpu.wait_dma2 semaphore(%arg18 : memref<!tpu.dma_semaphore, #tpu.memory_space<semaphore_mem>>) src(%arg10 : memref<125x128xf32, #tpu.memory_space<vmem>>) dst(%dma_wait3A_177 : memref<125x128xf32, #tpu.memory_space<hbm>>)
      %mul3A_178 = arith.constant 4 : i32
      %mul3A_179 = arith.muli %mul3A_178, %scan3A_155 : i32
      %add3A_180 = arith.constant 1 : i32
      %add3A_181 = arith.addi %mul3A_179, %add3A_180 : i32
      %dma_start3A_182 = arith.constant 0 : i32
      %dma_start3A_183 = tpu.memref_slice %arg7[%add3A_181, %dma_start3A_182] : memref<17x125xi32, #tpu.memory_space<vmem>> -> memref<1x125xi32, #tpu.memory_space<vmem>>
      %dma_start3A_184 = tpu.memref_squeeze %dma_start3A_183 : memref<1x125xi32, #tpu.memory_space<vmem>> -> memref<125xi32, #tpu.memory_space<vmem>>
      %dma_start3A_185 = arith.constant 0 : i32
      %dma_start3A_186 = arith.constant 0 : i32
      %dma_start3A_187 = tpu.memref_slice %arg4[%dma_start3A_185, %dma_start3A_186] : memref<4064x128xf32, #tpu.memory_space<hbm>> -> memref<4064x128xf32, #tpu.memory_space<hbm>>
      tpu.enqueue_indirect_dma source(%dma_start3A_187 : memref<4064x128xf32, #tpu.memory_space<hbm>>) target(%arg10 : memref<125x128xf32, #tpu.memory_space<vmem>>) offsets(%dma_start3A_184 : memref<125xi32, #tpu.memory_space<vmem>>) semaphore(%arg14 : memref<!tpu.dma_semaphore, #tpu.memory_space<semaphore_mem>>)
      %dma_wait3A_188 = arith.constant 0 : i32
      %dma_wait3A_189 = arith.constant 0 : i32
      %dma_wait3A_190 = tpu.memref_slice %arg6[%dma_wait3A_188, %dma_wait3A_189] : memref<372000x128xf32, #tpu.memory_space<hbm>> -> memref<125x128xf32, #tpu.memory_space<hbm>>
      %dma_wait3A_191 = arith.constant 0 : i32
      %dma_wait3A_192 = arith.constant 0 : i32
      %dma_wait3A_193 = tpu.memref_slice %arg6[%dma_wait3A_191, %dma_wait3A_192] : memref<372000x128xf32, #tpu.memory_space<hbm>> -> memref<125x128xf32, #tpu.memory_space<hbm>>
      tpu.wait_dma2 semaphore(%arg19 : memref<!tpu.dma_semaphore, #tpu.memory_space<semaphore_mem>>) src(%arg11 : memref<125x128xf32, #tpu.memory_space<vmem>>) dst(%dma_wait3A_193 : memref<125x128xf32, #tpu.memory_space<hbm>>)
      %mul3A_194 = arith.constant 4 : i32
      %mul3A_195 = arith.muli %mul3A_194, %scan3A_155 : i32
      %add3A_196 = arith.constant 2 : i32
      %add3A_197 = arith.addi %mul3A_195, %add3A_196 : i32
      %dma_start3A_198 = arith.constant 0 : i32
      %dma_start3A_199 = tpu.memref_slice %arg7[%add3A_197, %dma_start3A_198] : memref<17x125xi32, #tpu.memory_space<vmem>> -> memref<1x125xi32, #tpu.memory_space<vmem>>
      %dma_start3A_200 = tpu.memref_squeeze %dma_start3A_199 : memref<1x125xi32, #tpu.memory_space<vmem>> -> memref<125xi32, #tpu.memory_space<vmem>>
      %dma_start3A_201 = arith.constant 0 : i32
      %dma_start3A_202 = arith.constant 0 : i32
      %dma_start3A_203 = tpu.memref_slice %arg4[%dma_start3A_201, %dma_start3A_202] : memref<4064x128xf32, #tpu.memory_space<hbm>> -> memref<4064x128xf32, #tpu.memory_space<hbm>>
      tpu.enqueue_indirect_dma source(%dma_start3A_203 : memref<4064x128xf32, #tpu.memory_space<hbm>>) target(%arg11 : memref<125x128xf32, #tpu.memory_space<vmem>>) offsets(%dma_start3A_200 : memref<125xi32, #tpu.memory_space<vmem>>) semaphore(%arg15 : memref<!tpu.dma_semaphore, #tpu.memory_space<semaphore_mem>>)
      %dma_wait3A_204 = arith.constant 0 : i32
      %dma_wait3A_205 = arith.constant 0 : i32
      %dma_wait3A_206 = tpu.memref_slice %arg6[%dma_wait3A_204, %dma_wait3A_205] : memref<372000x128xf32, #tpu.memory_space<hbm>> -> memref<125x128xf32, #tpu.memory_space<hbm>>
      %dma_wait3A_207 = arith.constant 0 : i32
      %dma_wait3A_208 = arith.constant 0 : i32
      %dma_wait3A_209 = tpu.memref_slice %arg6[%dma_wait3A_207, %dma_wait3A_208] : memref<372000x128xf32, #tpu.memory_space<hbm>> -> memref<125x128xf32, #tpu.memory_space<hbm>>
      tpu.wait_dma2 semaphore(%arg20 : memref<!tpu.dma_semaphore, #tpu.memory_space<semaphore_mem>>) src(%arg12 : memref<125x128xf32, #tpu.memory_space<vmem>>) dst(%dma_wait3A_209 : memref<125x128xf32, #tpu.memory_space<hbm>>)
      %mul3A_210 = arith.constant 4 : i32
      %mul3A_211 = arith.muli %mul3A_210, %scan3A_155 : i32
      %add3A_212 = arith.constant 3 : i32
      %add3A_213 = arith.addi %mul3A_211, %add3A_212 : i32
      %dma_start3A_214 = arith.constant 0 : i32
      %dma_start3A_215 = tpu.memref_slice %arg7[%add3A_213, %dma_start3A_214] : memref<17x125xi32, #tpu.memory_space<vmem>> -> memref<1x125xi32, #tpu.memory_space<vmem>>
      %dma_start3A_216 = tpu.memref_squeeze %dma_start3A_215 : memref<1x125xi32, #tpu.memory_space<vmem>> -> memref<125xi32, #tpu.memory_space<vmem>>
      %dma_start3A_217 = arith.constant 0 : i32
      %dma_start3A_218 = arith.constant 0 : i32
      %dma_start3A_219 = tpu.memref_slice %arg4[%dma_start3A_217, %dma_start3A_218] : memref<4064x128xf32, #tpu.memory_space<hbm>> -> memref<4064x128xf32, #tpu.memory_space<hbm>>
      tpu.enqueue_indirect_dma source(%dma_start3A_219 : memref<4064x128xf32, #tpu.memory_space<hbm>>) target(%arg12 : memref<125x128xf32, #tpu.memory_space<vmem>>) offsets(%dma_start3A_216 : memref<125xi32, #tpu.memory_space<vmem>>) semaphore(%arg16 : memref<!tpu.dma_semaphore, #tpu.memory_space<semaphore_mem>>)
      %dma_wait3A_220 = arith.constant 0 : i32
      %dma_wait3A_221 = arith.constant 0 : i32
      %dma_wait3A_222 = tpu.memref_slice %arg7[%dma_wait3A_220, %dma_wait3A_221] : memref<17x125xi32, #tpu.memory_space<vmem>> -> memref<1x125xi32, #tpu.memory_space<vmem>>
      %dma_wait3A_223 = tpu.memref_squeeze %dma_wait3A_222 : memref<1x125xi32, #tpu.memory_space<vmem>> -> memref<125xi32, #tpu.memory_space<vmem>>
      %dma_wait3A_224 = arith.constant 0 : i32
      %dma_wait3A_225 = arith.constant 0 : i32
      %dma_wait3A_226 = tpu.memref_slice %arg4[%dma_wait3A_224, %dma_wait3A_225] : memref<4064x128xf32, #tpu.memory_space<hbm>> -> memref<4064x128xf32, #tpu.memory_space<hbm>>
      tpu.wait_indirect_dma semaphore(%arg13 : memref<!tpu.dma_semaphore, #tpu.memory_space<semaphore_mem>>) src(%dma_wait3A_226 : memref<4064x128xf32, #tpu.memory_space<hbm>>) dst(%arg9 : memref<125x128xf32, #tpu.memory_space<vmem>>)
      %mul3A_227 = arith.constant 4 : i32
      %mul3A_228 = arith.muli %mul3A_227, %scan3A_155 : i32
      %add3A_229 = arith.addi %mul3A_2, %mul3A_228 : i32
      %add3A_230 = arith.constant 0 : i32
      %add3A_231 = arith.addi %add3A_229, %add3A_230 : i32
      %mul3A_232 = arith.constant 125 : i32
      %mul3A_233 = arith.muli %add3A_231, %mul3A_232 : i32
      %dma_start3A_234 = arith.constant 0 : i32
      %dma_start3A_235 = tpu.memref_slice %arg6[%mul3A_233, %dma_start3A_234] : memref<372000x128xf32, #tpu.memory_space<hbm>> -> memref<125x128xf32, #tpu.memory_space<hbm>>
      %dma_start3A_236 = arith.constant 0 : i32
      %dma_start3A_237 = tpu.memref_slice %arg6[%mul3A_233, %dma_start3A_236] : memref<372000x128xf32, #tpu.memory_space<hbm>> -> memref<125x128xf32, #tpu.memory_space<hbm>>
      tpu.enqueue_dma source(%arg9 : memref<125x128xf32, #tpu.memory_space<vmem>>) target(%dma_start3A_237 : memref<125x128xf32, #tpu.memory_space<hbm>>) target_semaphore(%arg17 : memref<!tpu.dma_semaphore, #tpu.memory_space<semaphore_mem>>)
      %dma_wait3A_238 = arith.constant 0 : i32
      %dma_wait3A_239 = arith.constant 0 : i32
      %dma_wait3A_240 = tpu.memref_slice %arg7[%dma_wait3A_238, %dma_wait3A_239] : memref<17x125xi32, #tpu.memory_space<vmem>> -> memref<1x125xi32, #tpu.memory_space<vmem>>
      %dma_wait3A_241 = tpu.memref_squeeze %dma_wait3A_240 : memref<1x125xi32, #tpu.memory_space<vmem>> -> memref<125xi32, #tpu.memory_space<vmem>>
      %dma_wait3A_242 = arith.constant 0 : i32
      %dma_wait3A_243 = arith.constant 0 : i32
      %dma_wait3A_244 = tpu.memref_slice %arg4[%dma_wait3A_242, %dma_wait3A_243] : memref<4064x128xf32, #tpu.memory_space<hbm>> -> memref<4064x128xf32, #tpu.memory_space<hbm>>
      tpu.wait_indirect_dma semaphore(%arg14 : memref<!tpu.dma_semaphore, #tpu.memory_space<semaphore_mem>>) src(%dma_wait3A_244 : memref<4064x128xf32, #tpu.memory_space<hbm>>) dst(%arg10 : memref<125x128xf32, #tpu.memory_space<vmem>>)
      %mul3A_245 = arith.constant 4 : i32
      %mul3A_246 = arith.muli %mul3A_245, %scan3A_155 : i32
      %add3A_247 = arith.addi %mul3A_2, %mul3A_246 : i32
      %add3A_248 = arith.constant 1 : i32
      %add3A_249 = arith.addi %add3A_247, %add3A_248 : i32
      %mul3A_250 = arith.constant 125 : i32
      %mul3A_251 = arith.muli %add3A_249, %mul3A_250 : i32
      %dma_start3A_252 = arith.constant 0 : i32
      %dma_start3A_253 = tpu.memref_slice %arg6[%mul3A_251, %dma_start3A_252] : memref<372000x128xf32, #tpu.memory_space<hbm>> -> memref<125x128xf32, #tpu.memory_space<hbm>>
      %dma_start3A_254 = arith.constant 0 : i32
      %dma_start3A_255 = tpu.memref_slice %arg6[%mul3A_251, %dma_start3A_254] : memref<372000x128xf32, #tpu.memory_space<hbm>> -> memref<125x128xf32, #tpu.memory_space<hbm>>
      tpu.enqueue_dma source(%arg10 : memref<125x128xf32, #tpu.memory_space<vmem>>) target(%dma_start3A_255 : memref<125x128xf32, #tpu.memory_space<hbm>>) target_semaphore(%arg18 : memref<!tpu.dma_semaphore, #tpu.memory_space<semaphore_mem>>)
      %dma_wait3A_256 = arith.constant 0 : i32
      %dma_wait3A_257 = arith.constant 0 : i32
      %dma_wait3A_258 = tpu.memref_slice %arg7[%dma_wait3A_256, %dma_wait3A_257] : memref<17x125xi32, #tpu.memory_space<vmem>> -> memref<1x125xi32, #tpu.memory_space<vmem>>
      %dma_wait3A_259 = tpu.memref_squeeze %dma_wait3A_258 : memref<1x125xi32, #tpu.memory_space<vmem>> -> memref<125xi32, #tpu.memory_space<vmem>>
      %dma_wait3A_260 = arith.constant 0 : i32
      %dma_wait3A_261 = arith.constant 0 : i32
      %dma_wait3A_262 = tpu.memref_slice %arg4[%dma_wait3A_260, %dma_wait3A_261] : memref<4064x128xf32, #tpu.memory_space<hbm>> -> memref<4064x128xf32, #tpu.memory_space<hbm>>
      tpu.wait_indirect_dma semaphore(%arg15 : memref<!tpu.dma_semaphore, #tpu.memory_space<semaphore_mem>>) src(%dma_wait3A_262 : memref<4064x128xf32, #tpu.memory_space<hbm>>) dst(%arg11 : memref<125x128xf32, #tpu.memory_space<vmem>>)
      %mul3A_263 = arith.constant 4 : i32
      %mul3A_264 = arith.muli %mul3A_263, %scan3A_155 : i32
      %add3A_265 = arith.addi %mul3A_2, %mul3A_264 : i32
      %add3A_266 = arith.constant 2 : i32
      %add3A_267 = arith.addi %add3A_265, %add3A_266 : i32
      %mul3A_268 = arith.constant 125 : i32
      %mul3A_269 = arith.muli %add3A_267, %mul3A_268 : i32
      %dma_start3A_270 = arith.constant 0 : i32
      %dma_start3A_271 = tpu.memref_slice %arg6[%mul3A_269, %dma_start3A_270] : memref<372000x128xf32, #tpu.memory_space<hbm>> -> memref<125x128xf32, #tpu.memory_space<hbm>>
      %dma_start3A_272 = arith.constant 0 : i32
      %dma_start3A_273 = tpu.memref_slice %arg6[%mul3A_269, %dma_start3A_272] : memref<372000x128xf32, #tpu.memory_space<hbm>> -> memref<125x128xf32, #tpu.memory_space<hbm>>
      tpu.enqueue_dma source(%arg11 : memref<125x128xf32, #tpu.memory_space<vmem>>) target(%dma_start3A_273 : memref<125x128xf32, #tpu.memory_space<hbm>>) target_semaphore(%arg19 : memref<!tpu.dma_semaphore, #tpu.memory_space<semaphore_mem>>)
      %dma_wait3A_274 = arith.constant 0 : i32
      %dma_wait3A_275 = arith.constant 0 : i32
      %dma_wait3A_276 = tpu.memref_slice %arg7[%dma_wait3A_274, %dma_wait3A_275] : memref<17x125xi32, #tpu.memory_space<vmem>> -> memref<1x125xi32, #tpu.memory_space<vmem>>
      %dma_wait3A_277 = tpu.memref_squeeze %dma_wait3A_276 : memref<1x125xi32, #tpu.memory_space<vmem>> -> memref<125xi32, #tpu.memory_space<vmem>>
      %dma_wait3A_278 = arith.constant 0 : i32
      %dma_wait3A_279 = arith.constant 0 : i32
      %dma_wait3A_280 = tpu.memref_slice %arg4[%dma_wait3A_278, %dma_wait3A_279] : memref<4064x128xf32, #tpu.memory_space<hbm>> -> memref<4064x128xf32, #tpu.memory_space<hbm>>
      tpu.wait_indirect_dma semaphore(%arg16 : memref<!tpu.dma_semaphore, #tpu.memory_space<semaphore_mem>>) src(%dma_wait3A_280 : memref<4064x128xf32, #tpu.memory_space<hbm>>) dst(%arg12 : memref<125x128xf32, #tpu.memory_space<vmem>>)
      %mul3A_281 = arith.constant 4 : i32
      %mul3A_282 = arith.muli %mul3A_281, %scan3A_155 : i32
      %add3A_283 = arith.addi %mul3A_2, %mul3A_282 : i32
      %add3A_284 = arith.constant 3 : i32
      %add3A_285 = arith.addi %add3A_283, %add3A_284 : i32
      %mul3A_286 = arith.constant 125 : i32
      %mul3A_287 = arith.muli %add3A_285, %mul3A_286 : i32
      %dma_start3A_288 = arith.constant 0 : i32
      %dma_start3A_289 = tpu.memref_slice %arg6[%mul3A_287, %dma_start3A_288] : memref<372000x128xf32, #tpu.memory_space<hbm>> -> memref<125x128xf32, #tpu.memory_space<hbm>>
      %dma_start3A_290 = arith.constant 0 : i32
      %dma_start3A_291 = tpu.memref_slice %arg6[%mul3A_287, %dma_start3A_290] : memref<372000x128xf32, #tpu.memory_space<hbm>> -> memref<125x128xf32, #tpu.memory_space<hbm>>
      tpu.enqueue_dma source(%arg12 : memref<125x128xf32, #tpu.memory_space<vmem>>) target(%dma_start3A_291 : memref<125x128xf32, #tpu.memory_space<hbm>>) target_semaphore(%arg20 : memref<!tpu.dma_semaphore, #tpu.memory_space<semaphore_mem>>)
    }
    %scan3A_95 = arith.constant 3 : i32
    %dma_wait3A_96 = arith.constant 0 : i32
    %dma_wait3A_97 = arith.constant 0 : i32
    %dma_wait3A_98 = tpu.memref_slice %arg6[%dma_wait3A_96, %dma_wait3A_97] : memref<372000x128xf32, #tpu.memory_space<hbm>> -> memref<125x128xf32, #tpu.memory_space<hbm>>
    %dma_wait3A_99 = arith.constant 0 : i32
    %dma_wait3A_100 = arith.constant 0 : i32
    %dma_wait3A_101 = tpu.memref_slice %arg6[%dma_wait3A_99, %dma_wait3A_100] : memref<372000x128xf32, #tpu.memory_space<hbm>> -> memref<125x128xf32, #tpu.memory_space<hbm>>
    tpu.wait_dma2 semaphore(%arg17 : memref<!tpu.dma_semaphore, #tpu.memory_space<semaphore_mem>>) src(%arg9 : memref<125x128xf32, #tpu.memory_space<vmem>>) dst(%dma_wait3A_101 : memref<125x128xf32, #tpu.memory_space<hbm>>)
    %dma_start3A_102 = arith.constant 16 : i32
    %dma_start3A_103 = arith.constant 0 : i32
    %dma_start3A_104 = tpu.memref_slice %arg7[%dma_start3A_102, %dma_start3A_103] : memref<17x125xi32, #tpu.memory_space<vmem>> -> memref<1x125xi32, #tpu.memory_space<vmem>>
    %dma_start3A_105 = tpu.memref_squeeze %dma_start3A_104 : memref<1x125xi32, #tpu.memory_space<vmem>> -> memref<125xi32, #tpu.memory_space<vmem>>
    %dma_start3A_106 = arith.constant 0 : i32
    %dma_start3A_107 = arith.constant 0 : i32
    %dma_start3A_108 = tpu.memref_slice %arg4[%dma_start3A_106, %dma_start3A_107] : memref<4064x128xf32, #tpu.memory_space<hbm>> -> memref<4064x128xf32, #tpu.memory_space<hbm>>
    tpu.enqueue_indirect_dma source(%dma_start3A_108 : memref<4064x128xf32, #tpu.memory_space<hbm>>) target(%arg9 : memref<125x128xf32, #tpu.memory_space<vmem>>) offsets(%dma_start3A_105 : memref<125xi32, #tpu.memory_space<vmem>>) semaphore(%arg13 : memref<!tpu.dma_semaphore, #tpu.memory_space<semaphore_mem>>)
    %dma_wait3A_109 = arith.constant 0 : i32
    %dma_wait3A_110 = arith.constant 0 : i32
    %dma_wait3A_111 = tpu.memref_slice %arg7[%dma_wait3A_109, %dma_wait3A_110] : memref<17x125xi32, #tpu.memory_space<vmem>> -> memref<1x125xi32, #tpu.memory_space<vmem>>
    %dma_wait3A_112 = tpu.memref_squeeze %dma_wait3A_111 : memref<1x125xi32, #tpu.memory_space<vmem>> -> memref<125xi32, #tpu.memory_space<vmem>>
    %dma_wait3A_113 = arith.constant 0 : i32
    %dma_wait3A_114 = arith.constant 0 : i32
    %dma_wait3A_115 = tpu.memref_slice %arg4[%dma_wait3A_113, %dma_wait3A_114] : memref<4064x128xf32, #tpu.memory_space<hbm>> -> memref<4064x128xf32, #tpu.memory_space<hbm>>
    tpu.wait_indirect_dma semaphore(%arg13 : memref<!tpu.dma_semaphore, #tpu.memory_space<semaphore_mem>>) src(%dma_wait3A_115 : memref<4064x128xf32, #tpu.memory_space<hbm>>) dst(%arg9 : memref<125x128xf32, #tpu.memory_space<vmem>>)
    %add3A_116 = arith.constant 17 : i32
    %add3A_117 = arith.addi %mul3A_2, %add3A_116 : i32
    %sub3A = arith.constant 1 : i32
    %sub3A_118 = arith.subi %add3A_117, %sub3A : i32
    %mul3A_119 = arith.constant 125 : i32
    %mul3A_120 = arith.muli %sub3A_118, %mul3A_119 : i32
    %dma_start3A_121 = arith.constant 0 : i32
    %dma_start3A_122 = tpu.memref_slice %arg6[%mul3A_120, %dma_start3A_121] : memref<372000x128xf32, #tpu.memory_space<hbm>> -> memref<125x128xf32, #tpu.memory_space<hbm>>
    %dma_start3A_123 = arith.constant 0 : i32
    %dma_start3A_124 = tpu.memref_slice %arg6[%mul3A_120, %dma_start3A_123] : memref<372000x128xf32, #tpu.memory_space<hbm>> -> memref<125x128xf32, #tpu.memory_space<hbm>>
    tpu.enqueue_dma source(%arg9 : memref<125x128xf32, #tpu.memory_space<vmem>>) target(%dma_start3A_124 : memref<125x128xf32, #tpu.memory_space<hbm>>) target_semaphore(%arg17 : memref<!tpu.dma_semaphore, #tpu.memory_space<semaphore_mem>>)
    %scan3A_125 = arith.constant 0 : i32
    %scan3A_126 = arith.constant 0 : i32
    %scan3A_127 = arith.constant 19 : i32
    %scan3A_128 = arith.addi %scan3A_126, %scan3A_127 : i32
    %scan3A_129 = arith.constant 1 : i32
    scf.for %scan3A_155 = %scan3A_126 to %scan3A_128 step %scan3A_129  : i32 {
      %dma_wait3A_156 = arith.constant 0 : i32
      %dma_wait3A_157 = arith.constant 0 : i32
      %dma_wait3A_158 = tpu.memref_slice %arg6[%dma_wait3A_156, %dma_wait3A_157] : memref<372000x128xf32, #tpu.memory_space<hbm>> -> memref<125x128xf32, #tpu.memory_space<hbm>>
      %dma_wait3A_159 = arith.constant 0 : i32
      %dma_wait3A_160 = arith.constant 0 : i32
      %dma_wait3A_161 = tpu.memref_slice %arg6[%dma_wait3A_159, %dma_wait3A_160] : memref<372000x128xf32, #tpu.memory_space<hbm>> -> memref<125x128xf32, #tpu.memory_space<hbm>>
      tpu.wait_dma2 semaphore(%arg17 : memref<!tpu.dma_semaphore, #tpu.memory_space<semaphore_mem>>) src(%arg9 : memref<125x128xf32, #tpu.memory_space<vmem>>) dst(%dma_wait3A_161 : memref<125x128xf32, #tpu.memory_space<hbm>>)
      %mul3A_162 = arith.constant 4 : i32
      %mul3A_163 = arith.muli %mul3A_162, %scan3A_155 : i32
      %add3A_164 = arith.constant 0 : i32
      %add3A_165 = arith.addi %mul3A_163, %add3A_164 : i32
      %dma_start3A_166 = arith.constant 0 : i32
      %dma_start3A_167 = tpu.memref_slice %arg8[%add3A_165, %dma_start3A_166] : memref<76x125xi32, #tpu.memory_space<vmem>> -> memref<1x125xi32, #tpu.memory_space<vmem>>
      %dma_start3A_168 = tpu.memref_squeeze %dma_start3A_167 : memref<1x125xi32, #tpu.memory_space<vmem>> -> memref<125xi32, #tpu.memory_space<vmem>>
      %dma_start3A_169 = arith.constant 0 : i32
      %dma_start3A_170 = arith.constant 0 : i32
      %dma_start3A_171 = tpu.memref_slice %arg5[%dma_start3A_169, %dma_start3A_170] : memref<197632x128xf32, #tpu.memory_space<hbm>> -> memref<197632x128xf32, #tpu.memory_space<hbm>>
      tpu.enqueue_indirect_dma source(%dma_start3A_171 : memref<197632x128xf32, #tpu.memory_space<hbm>>) target(%arg9 : memref<125x128xf32, #tpu.memory_space<vmem>>) offsets(%dma_start3A_168 : memref<125xi32, #tpu.memory_space<vmem>>) semaphore(%arg13 : memref<!tpu.dma_semaphore, #tpu.memory_space<semaphore_mem>>)
      %dma_wait3A_172 = arith.constant 0 : i32
      %dma_wait3A_173 = arith.constant 0 : i32
      %dma_wait3A_174 = tpu.memref_slice %arg6[%dma_wait3A_172, %dma_wait3A_173] : memref<372000x128xf32, #tpu.memory_space<hbm>> -> memref<125x128xf32, #tpu.memory_space<hbm>>
      %dma_wait3A_175 = arith.constant 0 : i32
      %dma_wait3A_176 = arith.constant 0 : i32
      %dma_wait3A_177 = tpu.memref_slice %arg6[%dma_wait3A_175, %dma_wait3A_176] : memref<372000x128xf32, #tpu.memory_space<hbm>> -> memref<125x128xf32, #tpu.memory_space<hbm>>
      tpu.wait_dma2 semaphore(%arg18 : memref<!tpu.dma_semaphore, #tpu.memory_space<semaphore_mem>>) src(%arg10 : memref<125x128xf32, #tpu.memory_space<vmem>>) dst(%dma_wait3A_177 : memref<125x128xf32, #tpu.memory_space<hbm>>)
      %mul3A_178 = arith.constant 4 : i32
      %mul3A_179 = arith.muli %mul3A_178, %scan3A_155 : i32
      %add3A_180 = arith.constant 1 : i32
      %add3A_181 = arith.addi %mul3A_179, %add3A_180 : i32
      %dma_start3A_182 = arith.constant 0 : i32
      %dma_start3A_183 = tpu.memref_slice %arg8[%add3A_181, %dma_start3A_182] : memref<76x125xi32, #tpu.memory_space<vmem>> -> memref<1x125xi32, #tpu.memory_space<vmem>>
      %dma_start3A_184 = tpu.memref_squeeze %dma_start3A_183 : memref<1x125xi32, #tpu.memory_space<vmem>> -> memref<125xi32, #tpu.memory_space<vmem>>
      %dma_start3A_185 = arith.constant 0 : i32
      %dma_start3A_186 = arith.constant 0 : i32
      %dma_start3A_187 = tpu.memref_slice %arg5[%dma_start3A_185, %dma_start3A_186] : memref<197632x128xf32, #tpu.memory_space<hbm>> -> memref<197632x128xf32, #tpu.memory_space<hbm>>
      tpu.enqueue_indirect_dma source(%dma_start3A_187 : memref<197632x128xf32, #tpu.memory_space<hbm>>) target(%arg10 : memref<125x128xf32, #tpu.memory_space<vmem>>) offsets(%dma_start3A_184 : memref<125xi32, #tpu.memory_space<vmem>>) semaphore(%arg14 : memref<!tpu.dma_semaphore, #tpu.memory_space<semaphore_mem>>)
      %dma_wait3A_188 = arith.constant 0 : i32
      %dma_wait3A_189 = arith.constant 0 : i32
      %dma_wait3A_190 = tpu.memref_slice %arg6[%dma_wait3A_188, %dma_wait3A_189] : memref<372000x128xf32, #tpu.memory_space<hbm>> -> memref<125x128xf32, #tpu.memory_space<hbm>>
      %dma_wait3A_191 = arith.constant 0 : i32
      %dma_wait3A_192 = arith.constant 0 : i32
      %dma_wait3A_193 = tpu.memref_slice %arg6[%dma_wait3A_191, %dma_wait3A_192] : memref<372000x128xf32, #tpu.memory_space<hbm>> -> memref<125x128xf32, #tpu.memory_space<hbm>>
      tpu.wait_dma2 semaphore(%arg19 : memref<!tpu.dma_semaphore, #tpu.memory_space<semaphore_mem>>) src(%arg11 : memref<125x128xf32, #tpu.memory_space<vmem>>) dst(%dma_wait3A_193 : memref<125x128xf32, #tpu.memory_space<hbm>>)
      %mul3A_194 = arith.constant 4 : i32
      %mul3A_195 = arith.muli %mul3A_194, %scan3A_155 : i32
      %add3A_196 = arith.constant 2 : i32
      %add3A_197 = arith.addi %mul3A_195, %add3A_196 : i32
      %dma_start3A_198 = arith.constant 0 : i32
      %dma_start3A_199 = tpu.memref_slice %arg8[%add3A_197, %dma_start3A_198] : memref<76x125xi32, #tpu.memory_space<vmem>> -> memref<1x125xi32, #tpu.memory_space<vmem>>
      %dma_start3A_200 = tpu.memref_squeeze %dma_start3A_199 : memref<1x125xi32, #tpu.memory_space<vmem>> -> memref<125xi32, #tpu.memory_space<vmem>>
      %dma_start3A_201 = arith.constant 0 : i32
      %dma_start3A_202 = arith.constant 0 : i32
      %dma_start3A_203 = tpu.memref_slice %arg5[%dma_start3A_201, %dma_start3A_202] : memref<197632x128xf32, #tpu.memory_space<hbm>> -> memref<197632x128xf32, #tpu.memory_space<hbm>>
      tpu.enqueue_indirect_dma source(%dma_start3A_203 : memref<197632x128xf32, #tpu.memory_space<hbm>>) target(%arg11 : memref<125x128xf32, #tpu.memory_space<vmem>>) offsets(%dma_start3A_200 : memref<125xi32, #tpu.memory_space<vmem>>) semaphore(%arg15 : memref<!tpu.dma_semaphore, #tpu.memory_space<semaphore_mem>>)
      %dma_wait3A_204 = arith.constant 0 : i32
      %dma_wait3A_205 = arith.constant 0 : i32
      %dma_wait3A_206 = tpu.memref_slice %arg6[%dma_wait3A_204, %dma_wait3A_205] : memref<372000x128xf32, #tpu.memory_space<hbm>> -> memref<125x128xf32, #tpu.memory_space<hbm>>
      %dma_wait3A_207 = arith.constant 0 : i32
      %dma_wait3A_208 = arith.constant 0 : i32
      %dma_wait3A_209 = tpu.memref_slice %arg6[%dma_wait3A_207, %dma_wait3A_208] : memref<372000x128xf32, #tpu.memory_space<hbm>> -> memref<125x128xf32, #tpu.memory_space<hbm>>
      tpu.wait_dma2 semaphore(%arg20 : memref<!tpu.dma_semaphore, #tpu.memory_space<semaphore_mem>>) src(%arg12 : memref<125x128xf32, #tpu.memory_space<vmem>>) dst(%dma_wait3A_209 : memref<125x128xf32, #tpu.memory_space<hbm>>)
      %mul3A_210 = arith.constant 4 : i32
      %mul3A_211 = arith.muli %mul3A_210, %scan3A_155 : i32
      %add3A_212 = arith.constant 3 : i32
      %add3A_213 = arith.addi %mul3A_211, %add3A_212 : i32
      %dma_start3A_214 = arith.constant 0 : i32
      %dma_start3A_215 = tpu.memref_slice %arg8[%add3A_213, %dma_start3A_214] : memref<76x125xi32, #tpu.memory_space<vmem>> -> memref<1x125xi32, #tpu.memory_space<vmem>>
      %dma_start3A_216 = tpu.memref_squeeze %dma_start3A_215 : memref<1x125xi32, #tpu.memory_space<vmem>> -> memref<125xi32, #tpu.memory_space<vmem>>
      %dma_start3A_217 = arith.constant 0 : i32
      %dma_start3A_218 = arith.constant 0 : i32
      %dma_start3A_219 = tpu.memref_slice %arg5[%dma_start3A_217, %dma_start3A_218] : memref<197632x128xf32, #tpu.memory_space<hbm>> -> memref<197632x128xf32, #tpu.memory_space<hbm>>
      tpu.enqueue_indirect_dma source(%dma_start3A_219 : memref<197632x128xf32, #tpu.memory_space<hbm>>) target(%arg12 : memref<125x128xf32, #tpu.memory_space<vmem>>) offsets(%dma_start3A_216 : memref<125xi32, #tpu.memory_space<vmem>>) semaphore(%arg16 : memref<!tpu.dma_semaphore, #tpu.memory_space<semaphore_mem>>)
      %dma_wait3A_220 = arith.constant 0 : i32
      %dma_wait3A_221 = arith.constant 0 : i32
      %dma_wait3A_222 = tpu.memref_slice %arg8[%dma_wait3A_220, %dma_wait3A_221] : memref<76x125xi32, #tpu.memory_space<vmem>> -> memref<1x125xi32, #tpu.memory_space<vmem>>
      %dma_wait3A_223 = tpu.memref_squeeze %dma_wait3A_222 : memref<1x125xi32, #tpu.memory_space<vmem>> -> memref<125xi32, #tpu.memory_space<vmem>>
      %dma_wait3A_224 = arith.constant 0 : i32
      %dma_wait3A_225 = arith.constant 0 : i32
      %dma_wait3A_226 = tpu.memref_slice %arg5[%dma_wait3A_224, %dma_wait3A_225] : memref<197632x128xf32, #tpu.memory_space<hbm>> -> memref<197632x128xf32, #tpu.memory_space<hbm>>
      tpu.wait_indirect_dma semaphore(%arg13 : memref<!tpu.dma_semaphore, #tpu.memory_space<semaphore_mem>>) src(%dma_wait3A_226 : memref<197632x128xf32, #tpu.memory_space<hbm>>) dst(%arg9 : memref<125x128xf32, #tpu.memory_space<vmem>>)
      %add3A_227 = arith.constant 544 : i32
      %add3A_228 = arith.addi %add3A_227, %mul3A_4 : i32
      %mul3A_229 = arith.constant 4 : i32
      %mul3A_230 = arith.muli %mul3A_229, %scan3A_155 : i32
      %add3A_231 = arith.addi %add3A_228, %mul3A_230 : i32
      %add3A_232 = arith.constant 0 : i32
      %add3A_233 = arith.addi %add3A_231, %add3A_232 : i32
      %mul3A_234 = arith.constant 125 : i32
      %mul3A_235 = arith.muli %add3A_233, %mul3A_234 : i32
      %dma_start3A_236 = arith.constant 0 : i32
      %dma_start3A_237 = tpu.memref_slice %arg6[%mul3A_235, %dma_start3A_236] : memref<372000x128xf32, #tpu.memory_space<hbm>> -> memref<125x128xf32, #tpu.memory_space<hbm>>
      %dma_start3A_238 = arith.constant 0 : i32
      %dma_start3A_239 = tpu.memref_slice %arg6[%mul3A_235, %dma_start3A_238] : memref<372000x128xf32, #tpu.memory_space<hbm>> -> memref<125x128xf32, #tpu.memory_space<hbm>>
      tpu.enqueue_dma source(%arg9 : memref<125x128xf32, #tpu.memory_space<vmem>>) target(%dma_start3A_239 : memref<125x128xf32, #tpu.memory_space<hbm>>) target_semaphore(%arg17 : memref<!tpu.dma_semaphore, #tpu.memory_space<semaphore_mem>>)
      %dma_wait3A_240 = arith.constant 0 : i32
      %dma_wait3A_241 = arith.constant 0 : i32
      %dma_wait3A_242 = tpu.memref_slice %arg8[%dma_wait3A_240, %dma_wait3A_241] : memref<76x125xi32, #tpu.memory_space<vmem>> -> memref<1x125xi32, #tpu.memory_space<vmem>>
      %dma_wait3A_243 = tpu.memref_squeeze %dma_wait3A_242 : memref<1x125xi32, #tpu.memory_space<vmem>> -> memref<125xi32, #tpu.memory_space<vmem>>
      %dma_wait3A_244 = arith.constant 0 : i32
      %dma_wait3A_245 = arith.constant 0 : i32
      %dma_wait3A_246 = tpu.memref_slice %arg5[%dma_wait3A_244, %dma_wait3A_245] : memref<197632x128xf32, #tpu.memory_space<hbm>> -> memref<197632x128xf32, #tpu.memory_space<hbm>>
      tpu.wait_indirect_dma semaphore(%arg14 : memref<!tpu.dma_semaphore, #tpu.memory_space<semaphore_mem>>) src(%dma_wait3A_246 : memref<197632x128xf32, #tpu.memory_space<hbm>>) dst(%arg10 : memref<125x128xf32, #tpu.memory_space<vmem>>)
      %add3A_247 = arith.constant 544 : i32
      %add3A_248 = arith.addi %add3A_247, %mul3A_4 : i32
      %mul3A_249 = arith.constant 4 : i32
      %mul3A_250 = arith.muli %mul3A_249, %scan3A_155 : i32
      %add3A_251 = arith.addi %add3A_248, %mul3A_250 : i32
      %add3A_252 = arith.constant 1 : i32
      %add3A_253 = arith.addi %add3A_251, %add3A_252 : i32
      %mul3A_254 = arith.constant 125 : i32
      %mul3A_255 = arith.muli %add3A_253, %mul3A_254 : i32
      %dma_start3A_256 = arith.constant 0 : i32
      %dma_start3A_257 = tpu.memref_slice %arg6[%mul3A_255, %dma_start3A_256] : memref<372000x128xf32, #tpu.memory_space<hbm>> -> memref<125x128xf32, #tpu.memory_space<hbm>>
      %dma_start3A_258 = arith.constant 0 : i32
      %dma_start3A_259 = tpu.memref_slice %arg6[%mul3A_255, %dma_start3A_258] : memref<372000x128xf32, #tpu.memory_space<hbm>> -> memref<125x128xf32, #tpu.memory_space<hbm>>
      tpu.enqueue_dma source(%arg10 : memref<125x128xf32, #tpu.memory_space<vmem>>) target(%dma_start3A_259 : memref<125x128xf32, #tpu.memory_space<hbm>>) target_semaphore(%arg18 : memref<!tpu.dma_semaphore, #tpu.memory_space<semaphore_mem>>)
      %dma_wait3A_260 = arith.constant 0 : i32
      %dma_wait3A_261 = arith.constant 0 : i32
      %dma_wait3A_262 = tpu.memref_slice %arg8[%dma_wait3A_260, %dma_wait3A_261] : memref<76x125xi32, #tpu.memory_space<vmem>> -> memref<1x125xi32, #tpu.memory_space<vmem>>
      %dma_wait3A_263 = tpu.memref_squeeze %dma_wait3A_262 : memref<1x125xi32, #tpu.memory_space<vmem>> -> memref<125xi32, #tpu.memory_space<vmem>>
      %dma_wait3A_264 = arith.constant 0 : i32
      %dma_wait3A_265 = arith.constant 0 : i32
      %dma_wait3A_266 = tpu.memref_slice %arg5[%dma_wait3A_264, %dma_wait3A_265] : memref<197632x128xf32, #tpu.memory_space<hbm>> -> memref<197632x128xf32, #tpu.memory_space<hbm>>
      tpu.wait_indirect_dma semaphore(%arg15 : memref<!tpu.dma_semaphore, #tpu.memory_space<semaphore_mem>>) src(%dma_wait3A_266 : memref<197632x128xf32, #tpu.memory_space<hbm>>) dst(%arg11 : memref<125x128xf32, #tpu.memory_space<vmem>>)
      %add3A_267 = arith.constant 544 : i32
      %add3A_268 = arith.addi %add3A_267, %mul3A_4 : i32
      %mul3A_269 = arith.constant 4 : i32
      %mul3A_270 = arith.muli %mul3A_269, %scan3A_155 : i32
      %add3A_271 = arith.addi %add3A_268, %mul3A_270 : i32
      %add3A_272 = arith.constant 2 : i32
      %add3A_273 = arith.addi %add3A_271, %add3A_272 : i32
      %mul3A_274 = arith.constant 125 : i32
      %mul3A_275 = arith.muli %add3A_273, %mul3A_274 : i32
      %dma_start3A_276 = arith.constant 0 : i32
      %dma_start3A_277 = tpu.memref_slice %arg6[%mul3A_275, %dma_start3A_276] : memref<372000x128xf32, #tpu.memory_space<hbm>> -> memref<125x128xf32, #tpu.memory_space<hbm>>
      %dma_start3A_278 = arith.constant 0 : i32
      %dma_start3A_279 = tpu.memref_slice %arg6[%mul3A_275, %dma_start3A_278] : memref<372000x128xf32, #tpu.memory_space<hbm>> -> memref<125x128xf32, #tpu.memory_space<hbm>>
      tpu.enqueue_dma source(%arg11 : memref<125x128xf32, #tpu.memory_space<vmem>>) target(%dma_start3A_279 : memref<125x128xf32, #tpu.memory_space<hbm>>) target_semaphore(%arg19 : memref<!tpu.dma_semaphore, #tpu.memory_space<semaphore_mem>>)
      %dma_wait3A_280 = arith.constant 0 : i32
      %dma_wait3A_281 = arith.constant 0 : i32
      %dma_wait3A_282 = tpu.memref_slice %arg8[%dma_wait3A_280, %dma_wait3A_281] : memref<76x125xi32, #tpu.memory_space<vmem>> -> memref<1x125xi32, #tpu.memory_space<vmem>>
      %dma_wait3A_283 = tpu.memref_squeeze %dma_wait3A_282 : memref<1x125xi32, #tpu.memory_space<vmem>> -> memref<125xi32, #tpu.memory_space<vmem>>
      %dma_wait3A_284 = arith.constant 0 : i32
      %dma_wait3A_285 = arith.constant 0 : i32
      %dma_wait3A_286 = tpu.memref_slice %arg5[%dma_wait3A_284, %dma_wait3A_285] : memref<197632x128xf32, #tpu.memory_space<hbm>> -> memref<197632x128xf32, #tpu.memory_space<hbm>>
      tpu.wait_indirect_dma semaphore(%arg16 : memref<!tpu.dma_semaphore, #tpu.memory_space<semaphore_mem>>) src(%dma_wait3A_286 : memref<197632x128xf32, #tpu.memory_space<hbm>>) dst(%arg12 : memref<125x128xf32, #tpu.memory_space<vmem>>)
      %add3A_287 = arith.constant 544 : i32
      %add3A_288 = arith.addi %add3A_287, %mul3A_4 : i32
      %mul3A_289 = arith.constant 4 : i32
      %mul3A_290 = arith.muli %mul3A_289, %scan3A_155 : i32
      %add3A_291 = arith.addi %add3A_288, %mul3A_290 : i32
      %add3A_292 = arith.constant 3 : i32
      %add3A_293 = arith.addi %add3A_291, %add3A_292 : i32
      %mul3A_294 = arith.constant 125 : i32
      %mul3A_295 = arith.muli %add3A_293, %mul3A_294 : i32
      %dma_start3A_296 = arith.constant 0 : i32
      %dma_start3A_297 = tpu.memref_slice %arg6[%mul3A_295, %dma_start3A_296] : memref<372000x128xf32, #tpu.memory_space<hbm>> -> memref<125x128xf32, #tpu.memory_space<hbm>>
      %dma_start3A_298 = arith.constant 0 : i32
      %dma_start3A_299 = tpu.memref_slice %arg6[%mul3A_295, %dma_start3A_298] : memref<372000x128xf32, #tpu.memory_space<hbm>> -> memref<125x128xf32, #tpu.memory_space<hbm>>
      tpu.enqueue_dma source(%arg12 : memref<125x128xf32, #tpu.memory_space<vmem>>) target(%dma_start3A_299 : memref<125x128xf32, #tpu.memory_space<hbm>>) target_semaphore(%arg20 : memref<!tpu.dma_semaphore, #tpu.memory_space<semaphore_mem>>)
    }
    %scan3A_130 = arith.constant 19 : i32
    %dma_wait3A_131 = arith.constant 0 : i32
    %dma_wait3A_132 = arith.constant 0 : i32
    %dma_wait3A_133 = tpu.memref_slice %arg6[%dma_wait3A_131, %dma_wait3A_132] : memref<372000x128xf32, #tpu.memory_space<hbm>> -> memref<125x128xf32, #tpu.memory_space<hbm>>
    %dma_wait3A_134 = arith.constant 0 : i32
    %dma_wait3A_135 = arith.constant 0 : i32
    %dma_wait3A_136 = tpu.memref_slice %arg6[%dma_wait3A_134, %dma_wait3A_135] : memref<372000x128xf32, #tpu.memory_space<hbm>> -> memref<125x128xf32, #tpu.memory_space<hbm>>
    tpu.wait_dma2 semaphore(%arg17 : memref<!tpu.dma_semaphore, #tpu.memory_space<semaphore_mem>>) src(%arg9 : memref<125x128xf32, #tpu.memory_space<vmem>>) dst(%dma_wait3A_136 : memref<125x128xf32, #tpu.memory_space<hbm>>)
    %dma_wait3A_137 = arith.constant 0 : i32
    %dma_wait3A_138 = arith.constant 0 : i32
    %dma_wait3A_139 = tpu.memref_slice %arg6[%dma_wait3A_137, %dma_wait3A_138] : memref<372000x128xf32, #tpu.memory_space<hbm>> -> memref<125x128xf32, #tpu.memory_space<hbm>>
    %dma_wait3A_140 = arith.constant 0 : i32
    %dma_wait3A_141 = arith.constant 0 : i32
    %dma_wait3A_142 = tpu.memref_slice %arg6[%dma_wait3A_140, %dma_wait3A_141] : memref<372000x128xf32, #tpu.memory_space<hbm>> -> memref<125x128xf32, #tpu.memory_space<hbm>>
    tpu.wait_dma2 semaphore(%arg18 : memref<!tpu.dma_semaphore, #tpu.memory_space<semaphore_mem>>) src(%arg10 : memref<125x128xf32, #tpu.memory_space<vmem>>) dst(%dma_wait3A_142 : memref<125x128xf32, #tpu.memory_space<hbm>>)
    %dma_wait3A_143 = arith.constant 0 : i32
    %dma_wait3A_144 = arith.constant 0 : i32
    %dma_wait3A_145 = tpu.memref_slice %arg6[%dma_wait3A_143, %dma_wait3A_144] : memref<372000x128xf32, #tpu.memory_space<hbm>> -> memref<125x128xf32, #tpu.memory_space<hbm>>
    %dma_wait3A_146 = arith.constant 0 : i32
    %dma_wait3A_147 = arith.constant 0 : i32
    %dma_wait3A_148 = tpu.memref_slice %arg6[%dma_wait3A_146, %dma_wait3A_147] : memref<372000x128xf32, #tpu.memory_space<hbm>> -> memref<125x128xf32, #tpu.memory_space<hbm>>
    tpu.wait_dma2 semaphore(%arg19 : memref<!tpu.dma_semaphore, #tpu.memory_space<semaphore_mem>>) src(%arg11 : memref<125x128xf32, #tpu.memory_space<vmem>>) dst(%dma_wait3A_148 : memref<125x128xf32, #tpu.memory_space<hbm>>)
    %dma_wait3A_149 = arith.constant 0 : i32
    %dma_wait3A_150 = arith.constant 0 : i32
    %dma_wait3A_151 = tpu.memref_slice %arg6[%dma_wait3A_149, %dma_wait3A_150] : memref<372000x128xf32, #tpu.memory_space<hbm>> -> memref<125x128xf32, #tpu.memory_space<hbm>>
    %dma_wait3A_152 = arith.constant 0 : i32
    %dma_wait3A_153 = arith.constant 0 : i32
    %dma_wait3A_154 = tpu.memref_slice %arg6[%dma_wait3A_152, %dma_wait3A_153] : memref<372000x128xf32, #tpu.memory_space<hbm>> -> memref<125x128xf32, #tpu.memory_space<hbm>>
    tpu.wait_dma2 semaphore(%arg20 : memref<!tpu.dma_semaphore, #tpu.memory_space<semaphore_mem>>) src(%arg12 : memref<125x128xf32, #tpu.memory_space<vmem>>) dst(%dma_wait3A_154 : memref<125x128xf32, #tpu.memory_space<hbm>>)
    return
  }
}

</mosaic_0001>

<sc_bundles>
// kernel: kernel.3.cloned.1.call-start
scs
__scs_entry_jumppad:
0x0: {  	(pc) =	sbr.rel $0x88, $3  }
0x1: {  	(tag) =	ssettag $0x0;
	lr =	simm.s32 $0x1  }
0x2: {  	[smem:$0x3F9D] =	sst lr;
	_ =	strace $0xD0000000  }
0x3: {  	_ = 	snop  }
0x4: {  	_ = 	snop  }
0x5: {  	_ = 	snop  }
0x6: {  	_ = 	snop  }
0x7: {  	_ = 	snop  }
__scs_overlays_trampoline_lowered:
0x8: {  	[smem:$0x3FAC] =	sst s0  }
0x9: {  	[smem:$0x3FAD] =	sst s1  }
0xa: {  	[smem:$0x3FAE] =	sst s2  }
0xb: {  	[smem:$0x3FAF] =	sst s3  }
0xc: {  	[smem:$0x3FB0] =	sst s4  }
0xd: {  	[smem:$0x3FB1] =	sst s5  }
0xe: {  	[smem:$0x3FB2] =	sst s6  }
0xf: {  	[smem:$0x3FB3] =	sst s7  }
0x10: {  	[smem:$0x3FB4] =	sst s8  }
0x11: {  	[smem:$0x3FB5] =	sst s9;
	s0 =	simm.s32 @!p0 $0x0  }
0x12: {  	s1 =	sld [smem:$0x3F9B];
	s0 =	simm.s32 @p0 $0x1  }
0x13: {  	[smem:$0x3FB6] =	sst s0;
	s0 =	simm.s32 @!p1 $0x0  }
0x14: {  	s2 =	sld [smem:$0x3F9A];
	s0 =	simm.s32 @p1 $0x1  }
0x15: {  	[smem:$0x3FB7] =	sst s0;
	s0 =	simm.s32 @!p2 $0x0  }
0x16: {  	s3 =	sld [smem:$0x3FDB];
	s0 =	simm.s32 @p2 $0x1  }
0x17: {  	s4 =	simm.s32 $0x1BF5;
	[smem:$0x3FB9] =	sst s0  }
0x18: {  	s0 =	sld [smem:$0x3F9C];
	_ =	swait.ge [sflag:s4], $0x0  }
0x19: {  	s7 =	sld [smem:$0x3F9D]  }
0x1a: {  	s8 =	sadd.s32 $0xFFFFE003, lr  }
0x1b: {  	s9 =	sadd.s32 $0xFFFFFEF7, lr;
	s5 =	simm.s32 $0xFFFFFFFF;
	p2 =	slt.u32 s8, $0xFFFFF086  }
0x1c: {  	p1 =	slt.u32 s9, $0xF7A;
	s5 =	simm.s32 @!p2 $0x0  }
0x1d: {  	s5 =	simm.s32 @p1 $0x1;
	p0 =	seq.s32 s7, s2  }
0x1e: {  	s7 =	smul.u32 @!p0 $0xF7A, s2;
	p2 =	seq.s32 @!p0 s5, $0x0  }
0x1f: {  	s9 =	smul.u32 $0xF7A, s1;
	s8 =	simm.s32 @!p0 $0x1BF5;
	p2 =	por !p2, p0  }
0x20: {  	[sflag:s8] =	ssyncset.s32 @!p0 $0xFFFFF086;
	s6 =	sadd.s32 @!p0 s3, s7;
	s7 =	simm.s32 @!p0 $0x108  }
0x21: {  	s3 =	sadd.s32 s3, s9;
	s6 =	sadd.s32 @!p0 $0x88, s6;
	s7 =	simm.s32 @p2 $0x1082  }
0x22: {  	[simem:s7], [sflag:s8] =	dma.local @!p0 [hbm:s6], $0xF7A  }
0x23: {  	s9 =	sor.u32 $0xD0000000, s2;
	s6 =	simm.s32 $0x108;
	_ =	swait.ge @!p0 [sflag:s8], $0x0  }
0x24: {  	s3 =	sadd.s32 $0x88, s3;
	s6 =	simm.s32 @!p1 $0x1082;
	[sflag:s4] =	ssyncset.s32 $0xFFFFF086  }
0x25: {  	[simem:s6], [sflag:s4] =	dma.local [hbm:s3], $0xF7A  }
0x26: {  	[smem:$0x3F9D] =	sst s1;
	(tag) =	ssettag s2;
	_ =	strace s9  }
0x27: {  	s1 =	sld [smem:$0x3FAD]  }
0x28: {  	s2 =	sld [smem:$0x3FAE]  }
0x29: {  	s4 =	sld [smem:$0x3FB0]  }
0x2a: {  	p0 =	seq.s32 s5, $0x0;
	s5 =	sld [smem:$0x3FB1]  }
0x2b: {  	s6 =	sld [smem:$0x3FB2]  }
0x2c: {  	s7 =	sld [smem:$0x3FB3]  }
0x2d: {  	s3 =	simm.s32 $0x108;
	s8 =	sld [smem:$0x3FB4]  }
0x2e: {  	s3 =	simm.s32 @!p0 $0x1082;
	s9 =	sld [smem:$0x3FB5]  }
0x2f: {  	lr =	sadd.s32 s0, s3;
	s0 =	sld [smem:$0x3FAC]  }
0x30: {  	s3 =	sld [smem:$0x3FAF]  }
0x31: {  	[smem:$0x3FB8] =	sst s10  }
0x32: {  	s10 =	sld [smem:$0x3FB6];
	_ =	sdelay $0x3  }
0x33: {  	p0 =	seq.s32 s10, $0x1;
	s10 =	sld [smem:$0x3FB8];
	_ =	sdelay $0x3  }
0x34: {  	[smem:$0x3FB8] =	sst s10  }
0x35: {  	s10 =	sld [smem:$0x3FB7];
	_ =	sdelay $0x3  }
0x36: {  	p1 =	seq.s32 s10, $0x1;
	s10 =	sld [smem:$0x3FB8];
	_ =	sdelay $0x3  }
0x37: {  	[smem:$0x3FB8] =	sst s10  }
0x38: {  	s10 =	sld [smem:$0x3FB9]  }
0x39: {  	_ = 	snop;
	(pc) =	sbr.ind lr, $3  }
0x3a: {  	_ = 	snop  }
0x3b: {  	_ = 	snop  }
0x3c: {  	p2 =	seq.s32 s10, $0x1;
	s10 =	sld [smem:$0x3FB8]  }
0x3d: {  	_ =	shalt  }
0x3e: {  	_ =	shalt  }
0x3f: {  	_ =	shalt  }
0x40: {  	_ =	shalt  }
0x41: {  	_ =	shalt  }
0x42: {  	_ =	shalt  }
0x43: {  	_ =	shalt  }
0x44: {  	_ =	shalt  }
0x45: {  	_ =	shalt  }
0x46: {  	_ =	shalt  }
0x47: {  	_ =	shalt  }
0x48: {  	_ =	shalt  }
0x49: {  	_ =	shalt  }
0x4a: {  	_ =	shalt  }
0x4b: {  	_ =	shalt  }
0x4c: {  	_ =	shalt  }
0x4d: {  	_ =	shalt  }
0x4e: {  	_ =	shalt  }
0x4f: {  	_ =	shalt  }
0x50: {  	_ =	shalt  }
0x51: {  	_ =	shalt  }
0x52: {  	_ =	shalt  }
0x53: {  	_ =	shalt  }
0x54: {  	_ =	shalt  }
0x55: {  	_ =	shalt  }
0x56: {  	_ =	shalt  }
0x57: {  	_ =	shalt  }
0x58: {  	_ =	shalt  }
0x59: {  	_ =	shalt  }
0x5a: {  	_ =	shalt  }
0x5b: {  	_ =	shalt  }
0x5c: {  	_ =	shalt  }
0x5d: {  	_ =	shalt  }
0x5e: {  	_ =	shalt  }
0x5f: {  	_ =	shalt  }
0x60: {  	_ =	shalt  }
0x61: {  	_ =	shalt  }
0x62: {  	_ =	shalt  }
0x63: {  	_ =	shalt  }
0x64: {  	_ =	shalt  }
0x65: {  	_ =	shalt  }
0x66: {  	_ =	shalt  }
0x67: {  	_ =	shalt  }
0x68: {  	_ =	shalt  }
0x69: {  	_ =	shalt  }
0x6a: {  	_ =	shalt  }
0x6b: {  	_ =	shalt  }
0x6c: {  	_ =	shalt  }
0x6d: {  	_ =	shalt  }
0x6e: {  	_ =	shalt  }
0x6f: {  	_ =	shalt  }
0x70: {  	_ =	shalt  }
0x71: {  	_ =	shalt  }
0x72: {  	_ =	shalt  }
0x73: {  	_ =	shalt  }
0x74: {  	_ =	shalt  }
0x75: {  	_ =	shalt  }
0x76: {  	_ =	shalt  }
0x77: {  	_ =	shalt  }
0x78: {  	_ =	shalt  }
0x79: {  	_ =	shalt  }
0x7a: {  	_ =	shalt  }
0x7b: {  	_ =	shalt  }
0x7c: {  	_ =	shalt  }
0x7d: {  	_ =	shalt  }
0x7e: {  	_ =	shalt  }
0x7f: {  	_ =	shalt  }
0x80: {  	_ =	shalt  }
0x81: {  	_ =	shalt  }
0x82: {  	_ =	shalt  }
0x83: {  	_ =	shalt  }
0x84: {  	_ =	shalt  }
0x85: {  	_ =	shalt  }
0x86: {  	_ =	shalt  }
0x87: {  	_ =	shalt  }
.Lfunc_end0:
.L_simem_size_0:
called_computation.1_lowered:
.L_overlay_start_0:
0x88: {  	s2 =	sld [smem:$0x3FD9]  }
0x89: {  	s3 =	sld [smem:$0x3FFE];
	_ =	sdelay $0x1  }
0x8a: {  	s1 =	srdreg.scid  }
0x8b: {  	s0 =	sand.u32 $0x1, s1  }
0x8c: {  	s17 =	sshll.u32 s0, $0xA;
	s2 =	sadd.s32 s3, s2  }
0x8d: {  	s2 =	sadd.s32 s2, s17  }
0x8e: {  	[smem:$0x3FC4] =	sst s2  }
0x8f: {  	_ = 	snop  }
0x90: {  	s2 =	sld [smem:$0x3FD0];
	(tm) =	ssettm $0x1  }
0x91: {  	s18 =	sld [smem:$0x3FFB];
	_ =	sdelay $0x3  }
0x92: {  	_ =	strace s18  }
0x93: {  	s3 =	sld [smem:$0x3FFC];
	_ =	sdelay $0x3  }
0x94: {  	_ =	strace s3  }
0x95: {  	s3 =	sld [smem:$0x3FFD];
	_ =	sdelay $0x3  }
0x96: {  	_ =	strace s3  }
0x97: {  	_ =	strace $0x8FFFFFFF  }
0x98: {  	s19 =	sld [smem:$0x3FDB];
	_ =	sdelay $0x1  }
0x99: {  	s4 =	simm.s32 $_scs_section_size  }
0x9a: {  	s5 =	simm.s32 $_size__tile_overlayer_lowered;
	s6 =	simm.s32 $_tile_overlayer_lowered  }
0x9b: {  	s22 =	simm.s32 $0x1BFF;
	s21 =	sshll.u32 s6, $0x1;
	s3 =	sadd.s32 s4, s19  }
0x9c: {  	s7 =	simm.s32 $0x0;
	s20 =	sshll.u32 s5, $0x1;
	s5 =	sadd.s32 s21, s3  }
0x9d: {  	[timem:s7], [sflag:s22] =	dma.local [hbm:s5], s20  }
0x9e: {  	_ =	swait.ge [sflag:s22], s20  }
0x9f: {  	s4 =	ssub.s32 $0x0, s20;
	[sflag:s22] =	ssyncset.done $0x0  }
0xa0: {  	[sflag:s22] =	ssyncadd.s32 s4;
	_ =	sdelay $0x1  }
0xa1: {  	s23 =	simm.s32 $0x1B8B  }
0xa2: {  	_ =	swait.ge [sflag:s23], $0x1  }
0xa3: {  	[sflag:s23] =	ssyncset.done $0x0  }
0xa4: {  	s25 =	simm.s32 $0x1B8E;
	s24 =	sld [smem:$0x3FFE];
	[sflag:s23] =	ssyncadd.s32 $0xFFFFFFFF  }
0xa5: {  	s26 =	simm.s32 $execute0_lowered;
	[smem:$0x3FD2] =	sst s25  }
0xa6: {  	s5 =	sshll.u32 s26, $0x1;
	_ =	strace $0x80000049;
	[dreg:$0x1] =	wrdreg $0xFFFFFFFF  }
0xa7: {  	s28 =	simm.s32 $_size_execute0_lowered;
	s3 =	sadd.s32 s3, s5;
	[dreg:$0x0] =	wrdreg $0x0  }
0xa8: {  	s5 =	sshll.u32 s28, $0x1;
	[dreg:$0x2] =	wrdreg s3  }
0xa9: {  	[dreg:$0x3] =	wrdreg s5  }
0xaa: {  	[dreg:$0x4] =	wrdreg $0xC0  }
0xab: {  	_ =	task [dreg:s7], $0x5FFFF  }
0xac: {  	[dreg:$0x1] =	wrdreg $0xFFFFFFFF  }
0xad: {  	[dreg:$0x0] =	wrdreg $0x60  }
0xae: {  	[dreg:$0x2] =	wrdreg s24  }
0xaf: {  	[dreg:$0x3] =	wrdreg s2  }
0xb0: {  	[dreg:$0x4] =	wrdreg $0x9  }
0xb1: {  	_ =	task.clear_ibuf [dreg:s7], $0x5FFFF;
	_ =	strace $0x90000049  }
0xb2: {  	s29 =	simm.s32 $0x9;
	_ =	strace $0x8000004B  }
0xb3: {  	_ =	swait.ge [sflag:s29], $0x1  }
0xb4: {  	[sflag:s29] =	ssyncadd.s32 $0xFFFFFFFF  }
0xb5: {  	_ =	strace $0x9000004B  }
0xb6: {  	_ =	sfence  }
0xb7: {  	s30 =	sld [smem:$0x0];
	_ =	sdelay $0x2  }
0xb8: {  	s31 =	sshll.u32 s1, $0xD;
	s1 =	sshrl.u32 s1, $0x2  }
0xb9: {  	s3 =	sand.u32 $0x4000, s31;
	s1 =	sadd.s32 s1, s30  }
0xba: {  	s0 =	sor.u32 s3, s0;
	s1 =	sshll.u32 s1, $0x11  }
0xbb: {  	s0 =	sor.u32 s1, s0  }
0xbc: {  	s0 =	sadd.s32 $0x8F2B, s0  }
0xbd: {  	[sflag:s0] =	ssyncadd.remote.s32 $0x1  }
0xbe: {  	_ =	sfence.sel $0xFFFF  }
0xbf: {  	[dreg:$0x0] =	wrdreg $0xFFFFFFFF;
	(pc) =	sbr.abs _section_cstart, $3  }
0xc0: {  	[dreg:$0x1] =	wrdreg $0xFFFFFFFF  }
0xc1: {  	_ =	task.clear_ibuf [dreg:s7], $0x2FFFF;
	_ =	strace $0x9FFFFFFF  }
0xc2: {  	(tm) =	ssettm $0x7FFFFFFF  }
0xc3: {  	_ =	shalt  }
tec
execute0_lowered:
.L_overlay_start_1:
0x0: {  	(tag) =	ssettag $0x1  }
0x1: {  	s11 =	stileid.u32  }
0x2: {  	s24 =	smul.u32 $0x109A0, s11  }
0x3: {  	s0 =	srdreg.scid;
	s26 =	smul.u32 $0x84D00, s11  }
0x4: {  	s1 =	rddreg [dreg:$0x0];
	s0 =	sand.u32 $0x1, s0;
	s19 =	smul.u32 $0x4A380, s11  }
0x5: {  	s5 =	rddreg [dreg:$0x1];
	s2 =	sshll.u32 s11, $0x1;
	s14 =	smul.u32 $0x42680, s0  }
0x6: {  	s29 =	simm.s32 $0xAB80;
	s6 =	sor.u32 s0, s2;
	s16 =	smul.u32 $0x84D0, s0  }
0x7: {  	s31 =	simm.s32 $0xEA00;
	s28 =	simm.s32 $0x5;
	s3 =	smul.u32 $0x110, s6  }
0x8: {  	s30 =	simm.s32 $0x6;
	s2 =	simm.s32 $0x0;
	s4 =	smul.u32 $0x4C0, s6  }
0x9: {  	s9 =	ssub.s32 $0x2, s0;
	[smem:$0x7FF] =	sst s2;
	s10 =	smul.u32 $0x42680, s6  }
0xa: {  	s21 =	sshrl.u32 s9, $0x1;
	s6 =	smul.u32 $0x84D0, s6;
	s17 =	sadd.s32 s24, s5  }
0xb: {  	_ =	strace $0x8000004A;
	s7 =	sadd.s32 s3, s1;
	s8 =	sadd.s32 s4, s1  }
0xc: {  	s3 =	sadd.s32 $0x310A00, s1;
	s4 =	sadd.s32 $0x1000, s1;
	s6 =	sadd.s32 s5, s6  }
0xd: {  	s1 =	ssub.s32 s9, s21;
	s7 =	sadd.s32 $0x305000, s7;
	[dreg:$0x5] =	wrdreg s6  }
0xe: {  	s23 =	sshrl.u32 s10, $0x3;
	s22 =	sadd.s32 $0x307200, s8;
	[dreg:$0x3] =	wrdreg s7  }
0xf: {  	s25 =	sadd.s32 s5, s23;
	s1 =	smax.u32 s1, $0x1;
	[dreg:$0x4] =	wrdreg s22  }
0x10: {  	s21 =	smul.u32 $0x251C0, s0;
	s12 =	sadd.s32 $0x7D0, s25;
	[dreg:$0xa] =	wrdreg s1  }
0x11: {  	s0 =	smul.u32 $0x128E00, s0;
	s13 =	sadd.s32 $0xFA0, s25;
	[dreg:$0x6] =	wrdreg s12  }
0x12: {  	s23 =	smul.u32 $0x251C00, s11;
	s15 =	sadd.s32 $0x1770, s25;
	[dreg:$0x7] =	wrdreg s13  }
0x13: {  	s8 =	sadd.s32 s19, s5;
	s6 =	sadd.s32 $0x7D00, s25;
	[dreg:$0x8] =	wrdreg s15  }
0x14: {  	s7 =	sadd.s32 s14, s26;
	s1 =	sadd.s32 s16, s17;
	[dreg:$0x9] =	wrdreg s6  }
0x15: {  	s18 =	sadd.s32 $0x1B580, s7;
	s1 =	sadd.s32 $0x1F40, s1;
	s22 =	sadd.s32 $0x17700, s7  }
0x16: {  	s24 =	sadd.s32 $0x13880, s7;
	s6 =	sadd.s32 s21, s8;
	s0 =	sadd.s32 s0, s23  }
0x17: {  	s21 =	simm.s32 $0x9;
	s23 =	simm.s32 $0x7D;
	s7 =	simm.s32 $0x0  }
0x18: {  	[dreg:$0xb] =	wrdreg s1;
	s16 =	sadd.s32 $0x109A00, s6;
	s25 =	sadd.s32 $0x858B80, s0  }
0x19: {  	s20 =	sshrl.u32 s18, $0x3;
	s26 =	sadd.s32 $0x854D00, s0;
	s0 =	sadd.s32 $0x850E80, s0  }
0x1a: {  	s1 =	sadd.s32 s20, s5;
	s6 =	sshrl.u32 s26, $0x3;
	s0 =	sshrl.u32 s0, $0x3  }
0x1b: {  	s26 =	simm.s32 $0x6D00;
	[dreg:$0xc] =	wrdreg s1;
	s1 =	sshrl.u32 s22, $0x3  }
0x1c: {  	s19 =	sadd.s32 s6, s5;
	s20 =	sadd.s32 s0, s5;
	s0 =	simm.s32 $0x2  }
0x1d: {  	s22 =	simm.s32 $0x3;
	s6 =	simm.s32 $0x8;
	s1 =	sadd.s32 s1, s5  }
0x1e: {  	[dreg:$0xd] =	wrdreg s1;
	s1 =	sshrl.u32 s24, $0x3;
	s24 =	simm.s32 $0x2E80  }
0x1f: {  	s17 =	sadd.s32 s1, s5;
	s1 =	sshrl.u32 s25, $0x3;
	s25 =	simm.s32 $0x4  }
0x20: {  	s18 =	sadd.s32 s1, s5;
	s1 =	simm.s32 $0x1;
	s5 =	simm.s32 $0x7  }
.LBB2_1:
0x21: {  	s8 =	rddreg [dreg:$0x3]  }
0x22: {  	[tilespmem:s2], [sflag:$0x9] =	stream.linear.gather [hbm4b:s8+s2], $0x880, $0x38;
	[tilespmem:$0x12880] =	vst v63  }
0x23: {  	_ =	swait.ge [sflag:s21], $0x880  }
0x24: {  	[sflag:s21] =	ssyncset.done $0x0  }
0x25: {  	s9 =	simm.s32 $0x880;
	s10 =	rddreg [dreg:$0x4];
	[sflag:s21] =	ssyncadd.s32 $0xFFFFF780  }
0x26: {  	[tilespmem:s9], [sflag:$0x9] =	stream.linear.gather [hbm4b:s10+s2], $0x2600, $0x38;
	[tilespmem:$0x12880] =	vst v63  }
0x27: {  	_ =	swait.ge [sflag:s21], $0x2600  }
0x28: {  	[sflag:s21] =	ssyncset.done $0x0  }
0x29: {  	[sflag:s21] =	ssyncadd.s32 $0xFFFFDA00  }
0x2a: {  	[tilespmem:s24], [sflag:$0x1] =	stream.indirect.gather [hbm4b:s3+s23], $0x80, s2, s23, $0xb8;
	[tilespmem:$0x12880] =	vst v63  }
0x2b: {  	s11 =	simm.s32 $0x80  }
0x2c: {  	[tilespmem:s26], [sflag:$0x2] =	stream.indirect.gather [hbm4b:s3+s23], $0x80, s11, s23, $0xb8;
	[tilespmem:$0x12880] =	vst v63  }
0x2d: {  	s12 =	simm.s32 $0x100  }
0x2e: {  	[tilespmem:s29], [sflag:$0x3] =	stream.indirect.gather [hbm4b:s3+s23], $0x80, s12, s23, $0xb8;
	[tilespmem:$0x12880] =	vst v63  }
0x2f: {  	s13 =	simm.s32 $0x180  }
0x30: {  	[tilespmem:s31], [sflag:$0x4] =	stream.indirect.gather [hbm4b:s3+s23], $0x80, s13, s23, $0xb8;
	[tilespmem:$0x12880] =	vst v63  }
0x31: {  	_ =	swait.ge [sflag:s1], $0x3E80  }
0x32: {  	[sflag:s1] =	ssyncset.done $0x0  }
0x33: {  	s14 =	rddreg [dreg:$0x5];
	[sflag:s1] =	ssyncadd.s32 $0xFFFFC180  }
0x34: {  	[hbm4b:s14+s2] =	stream.linear.scatter [tilespmem:s24], [sflag:$0x5], $0x3E80, $0x38;
	[tilespmem:$0x12880] =	vst v63  }
0x35: {  	_ =	swait.ge [sflag:s0], $0x3E80  }
0x36: {  	[sflag:s0] =	ssyncset.done $0x0  }
0x37: {  	s15 =	rddreg [dreg:$0x6];
	[sflag:s0] =	ssyncadd.s32 $0xFFFFC180  }
0x38: {  	[hbm4b:s15+s2] =	stream.linear.scatter [tilespmem:s26], [sflag:$0x6], $0x3E80, $0x38;
	[tilespmem:$0x12880] =	vst v63  }
0x39: {  	_ =	swait.ge [sflag:s22], $0x3E80  }
0x3a: {  	[sflag:s22] =	ssyncset.done $0x0  }
0x3b: {  	s9 =	rddreg [dreg:$0x7];
	[sflag:s22] =	ssyncadd.s32 $0xFFFFC180  }
0x3c: {  	[hbm4b:s9+s2] =	stream.linear.scatter [tilespmem:s29], [sflag:$0x7], $0x3E80, $0x38;
	[tilespmem:$0x12880] =	vst v63  }
0x3d: {  	_ =	swait.ge [sflag:s25], $0x3E80  }
0x3e: {  	[sflag:s25] =	ssyncset.done $0x0  }
0x3f: {  	s10 =	rddreg [dreg:$0x8];
	[sflag:s25] =	ssyncadd.s32 $0xFFFFC180  }
0x40: {  	[hbm4b:s10+s2] =	stream.linear.scatter [tilespmem:s31], [sflag:$0x8], $0x3E80, $0x38;
	[tilespmem:$0x12880] =	vst v63  }
0x41: {  	_ =	swait.ge [sflag:s28], $0x3E80  }
0x42: {  	[sflag:s28] =	ssyncset.done $0x0  }
0x43: {  	s11 =	simm.s32 $0x200;
	[sflag:s28] =	ssyncadd.s32 $0xFFFFC180  }
0x44: {  	[tilespmem:s24], [sflag:$0x1] =	stream.indirect.gather [hbm4b:s3+s23], $0x80, s11, s23, $0xb8;
	[tilespmem:$0x12880] =	vst v63  }
0x45: {  	_ =	swait.ge [sflag:s30], $0x3E80  }
0x46: {  	[sflag:s30] =	ssyncset.done $0x0  }
0x47: {  	s12 =	simm.s32 $0x280;
	[sflag:s30] =	ssyncadd.s32 $0xFFFFC180  }
0x48: {  	[tilespmem:s26], [sflag:$0x2] =	stream.indirect.gather [hbm4b:s3+s23], $0x80, s12, s23, $0xb8;
	[tilespmem:$0x12880] =	vst v63  }
0x49: {  	_ =	swait.ge [sflag:s5], $0x3E80  }
0x4a: {  	[sflag:s5] =	ssyncset.done $0x0  }
0x4b: {  	s13 =	simm.s32 $0x300;
	[sflag:s5] =	ssyncadd.s32 $0xFFFFC180  }
0x4c: {  	[tilespmem:s29], [sflag:$0x3] =	stream.indirect.gather [hbm4b:s3+s23], $0x80, s13, s23, $0xb8;
	[tilespmem:$0x12880] =	vst v63  }
0x4d: {  	_ =	swait.ge [sflag:s6], $0x3E80  }
0x4e: {  	[sflag:s6] =	ssyncset.done $0x0  }
0x4f: {  	s14 =	simm.s32 $0x380;
	[sflag:s6] =	ssyncadd.s32 $0xFFFFC180  }
0x50: {  	[tilespmem:s31], [sflag:$0x4] =	stream.indirect.gather [hbm4b:s3+s23], $0x80, s14, s23, $0xb8;
	[tilespmem:$0x12880] =	vst v63  }
0x51: {  	_ =	swait.ge [sflag:s1], $0x3E80  }
0x52: {  	[sflag:s1] =	ssyncset.done $0x0  }
0x53: {  	s11 =	rddreg [dreg:$0xb];
	[sflag:s1] =	ssyncadd.s32 $0xFFFFC180  }
0x54: {  	[hbm4b:s11+s2] =	stream.linear.scatter [tilespmem:s24], [sflag:$0x5], $0x3E80, $0x38;
	[tilespmem:$0x12880] =	vst v63  }
0x55: {  	_ =	swait.ge [sflag:s0], $0x3E80  }
0x56: {  	[sflag:s0] =	ssyncset.done $0x0  }
0x57: {  	[sflag:s0] =	ssyncadd.s32 $0xFFFFC180  }
0x58: {  	[hbm4b:s17+s2] =	stream.linear.scatter [tilespmem:s26], [sflag:$0x6], $0x3E80, $0x38;
	[tilespmem:$0x12880] =	vst v63  }
0x59: {  	_ =	swait.ge [sflag:s22], $0x3E80  }
0x5a: {  	[sflag:s22] =	ssyncset.done $0x0  }
0x5b: {  	s15 =	rddreg [dreg:$0xd];
	[sflag:s22] =	ssyncadd.s32 $0xFFFFC180  }
0x5c: {  	[hbm4b:s15+s2] =	stream.linear.scatter [tilespmem:s29], [sflag:$0x7], $0x3E80, $0x38;
	[tilespmem:$0x12880] =	vst v63  }
0x5d: {  	s8 =	simm.s32 $0x800;
	s10 =	sadd.s32 $0x1F40, s17;
	_ =	swait.ge [sflag:s25], $0x3E80  }
0x5e: {  	s11 =	sadd.s32 $0x1F40, s11;
	[sflag:s25] =	ssyncset.done $0x0;
	s14 =	rddreg [dreg:$0xc]  }
0x5f: {  	s9 =	sadd.s32 $0x1F40, s15;
	[sflag:s25] =	ssyncadd.s32 $0xFFFFC180;
	s12 =	sadd.s32 $0x1F40, s14  }
.LBB2_2:
0x60: {  	[hbm4b:s14+s2] =	stream.linear.scatter [tilespmem:s31], [sflag:$0x8], $0x3E80, $0x38;
	[tilespmem:$0x12880] =	vst v63  }
0x61: {  	s13 =	smov.u32 s8;
	s14 =	smov.u32 s12  }
0x62: {  	p0 =	sne.s32 s8, $0x1000;
	s8 =	sadd.s32 $0x800, s8;
	_ =	swait.ge [sflag:s28], $0x3E80  }
0x63: {  	s13 =	sshra.s32 s13, $0x2;
	[sflag:s28] =	ssyncset.done $0x0  }
0x64: {  	s15 =	sadd.s32 $0x200, s13;
	[sflag:s28] =	ssyncadd.s32 $0xFFFFC180  }
0x65: {  	[tilespmem:s24], [sflag:$0x1] =	stream.indirect.gather [hbm4b:s3+s23], $0x80, s15, s23, $0xb8;
	[tilespmem:$0x12880] =	vst v63  }
0x66: {  	_ =	swait.ge [sflag:s30], $0x3E80  }
0x67: {  	[sflag:s30] =	ssyncset.done $0x0  }
0x68: {  	s15 =	sadd.s32 $0x280, s13;
	[sflag:s30] =	ssyncadd.s32 $0xFFFFC180  }
0x69: {  	[tilespmem:s26], [sflag:$0x2] =	stream.indirect.gather [hbm4b:s3+s23], $0x80, s15, s23, $0xb8;
	[tilespmem:$0x12880] =	vst v63  }
0x6a: {  	_ =	swait.ge [sflag:s5], $0x3E80  }
0x6b: {  	[sflag:s5] =	ssyncset.done $0x0  }
0x6c: {  	s15 =	sadd.s32 $0x300, s13;
	[sflag:s5] =	ssyncadd.s32 $0xFFFFC180  }
0x6d: {  	[tilespmem:s29], [sflag:$0x3] =	stream.indirect.gather [hbm4b:s3+s23], $0x80, s15, s23, $0xb8;
	[tilespmem:$0x12880] =	vst v63  }
0x6e: {  	_ =	swait.ge [sflag:s6], $0x3E80  }
0x6f: {  	[sflag:s6] =	ssyncset.done $0x0  }
0x70: {  	s13 =	sadd.s32 $0x380, s13;
	[sflag:s6] =	ssyncadd.s32 $0xFFFFC180  }
0x71: {  	[tilespmem:s31], [sflag:$0x4] =	stream.indirect.gather [hbm4b:s3+s23], $0x80, s13, s23, $0xb8;
	[tilespmem:$0x12880] =	vst v63  }
0x72: {  	_ =	swait.ge [sflag:s1], $0x3E80  }
0x73: {  	[sflag:s1] =	ssyncset.done $0x0  }
0x74: {  	[sflag:s1] =	ssyncadd.s32 $0xFFFFC180  }
0x75: {  	[hbm4b:s11+s2] =	stream.linear.scatter [tilespmem:s24], [sflag:$0x5], $0x3E80, $0x38;
	[tilespmem:$0x12880] =	vst v63  }
0x76: {  	_ =	swait.ge [sflag:s0], $0x3E80  }
0x77: {  	[sflag:s0] =	ssyncset.done $0x0  }
0x78: {  	[sflag:s0] =	ssyncadd.s32 $0xFFFFC180  }
0x79: {  	[hbm4b:s10+s2] =	stream.linear.scatter [tilespmem:s26], [sflag:$0x6], $0x3E80, $0x38;
	[tilespmem:$0x12880] =	vst v63  }
0x7a: {  	_ =	swait.ge [sflag:s22], $0x3E80  }
0x7b: {  	[sflag:s22] =	ssyncset.done $0x0  }
.Ltmp0:
0x7c: {  	[sflag:s22] =	ssyncadd.s32 $0xFFFFC180;
	(pc) =	sbr.rel @p0 .LBB2_2-.Ltmp0, $4  }
0x7d: {  	[hbm4b:s9+s2] =	stream.linear.scatter [tilespmem:s29], [sflag:$0x7], $0x3E80, $0x38;
	[tilespmem:$0x12880] =	vst v63  }
0x7e: {  	_ =	swait.ge [sflag:s25], $0x3E80  }
0x7f: {  	s10 =	sadd.s32 $0x1F40, s10;
	s9 =	sadd.s32 $0x1F40, s9;
	[sflag:s25] =	ssyncset.done $0x0  }
0x80: {  	s12 =	sadd.s32 $0x1F40, s12;
	s11 =	sadd.s32 $0x1F40, s11;
	[sflag:s25] =	ssyncadd.s32 $0xFFFFC180  }
0x81: {  	[hbm4b:s14+s2] =	stream.linear.scatter [tilespmem:s31], [sflag:$0x8], $0x3E80, $0x38;
	[tilespmem:$0x12880] =	vst v63  }
0x82: {  	_ =	swait.ge [sflag:s28], $0x3E80  }
0x83: {  	[sflag:s28] =	ssyncset.done $0x0  }
0x84: {  	s8 =	simm.s32 $0x800;
	[sflag:s28] =	ssyncadd.s32 $0xFFFFC180  }
0x85: {  	[tilespmem:s24], [sflag:$0x1] =	stream.indirect.gather [hbm4b:s3+s23], $0x80, s8, s23, $0xb8;
	[tilespmem:$0x12880] =	vst v63  }
0x86: {  	_ =	swait.ge [sflag:s1], $0x3E80  }
0x87: {  	[sflag:s1] =	ssyncset.done $0x0  }
0x88: {  	s11 =	simm.s32 $0x0;
	s9 =	rddreg [dreg:$0x9];
	[sflag:s1] =	ssyncadd.s32 $0xFFFFC180  }
0x89: {  	[hbm4b:s9+s11] =	stream.linear.scatter [tilespmem:s24], [sflag:$0x5], $0x3E80, $0x38;
	[tilespmem:$0x12880] =	vst v63  }
0x8a: {  	_ =	swait.ge [sflag:s28], $0x3E80  }
0x8b: {  	[sflag:s28] =	ssyncset.done $0x0  }
0x8c: {  	s12 =	simm.s32 $0x880;
	[sflag:s28] =	ssyncadd.s32 $0xFFFFC180  }
0x8d: {  	[tilespmem:s24], [sflag:$0x1] =	stream.indirect.gather [hbm4b:s4+s23], $0x80, s12, s23, $0xb8;
	[tilespmem:$0x12880] =	vst v63  }
0x8e: {  	_ =	swait.ge [sflag:s30], $0x3E80  }
0x8f: {  	[sflag:s30] =	ssyncset.done $0x0  }
0x90: {  	s13 =	simm.s32 $0x900;
	[sflag:s30] =	ssyncadd.s32 $0xFFFFC180  }
0x91: {  	[tilespmem:s26], [sflag:$0x2] =	stream.indirect.gather [hbm4b:s4+s23], $0x80, s13, s23, $0xb8;
	[tilespmem:$0x12880] =	vst v63  }
0x92: {  	_ =	swait.ge [sflag:s5], $0x3E80  }
0x93: {  	[sflag:s5] =	ssyncset.done $0x0  }
0x94: {  	s14 =	simm.s32 $0x980;
	[sflag:s5] =	ssyncadd.s32 $0xFFFFC180  }
0x95: {  	[tilespmem:s29], [sflag:$0x3] =	stream.indirect.gather [hbm4b:s4+s23], $0x80, s14, s23, $0xb8;
	[tilespmem:$0x12880] =	vst v63  }
0x96: {  	_ =	swait.ge [sflag:s6], $0x3E80  }
0x97: {  	[sflag:s6] =	ssyncset.done $0x0  }
0x98: {  	s15 =	simm.s32 $0xA00;
	[sflag:s6] =	ssyncadd.s32 $0xFFFFC180  }
0x99: {  	[tilespmem:s31], [sflag:$0x4] =	stream.indirect.gather [hbm4b:s4+s23], $0x80, s15, s23, $0xb8;
	[tilespmem:$0x12880] =	vst v63  }
0x9a: {  	_ =	swait.ge [sflag:s1], $0x3E80  }
0x9b: {  	[sflag:s1] =	ssyncset.done $0x0  }
0x9c: {  	[sflag:s1] =	ssyncadd.s32 $0xFFFFC180  }
0x9d: {  	[hbm4b:s16+s2] =	stream.linear.scatter [tilespmem:s24], [sflag:$0x5], $0x3E80, $0x38;
	[tilespmem:$0x12880] =	vst v63  }
0x9e: {  	_ =	swait.ge [sflag:s0], $0x3E80  }
0x9f: {  	[sflag:s0] =	ssyncset.done $0x0  }
0xa0: {  	[sflag:s0] =	ssyncadd.s32 $0xFFFFC180  }
0xa1: {  	[hbm4b:s20+s2] =	stream.linear.scatter [tilespmem:s26], [sflag:$0x6], $0x3E80, $0x38;
	[tilespmem:$0x12880] =	vst v63  }
0xa2: {  	_ =	swait.ge [sflag:s22], $0x3E80  }
0xa3: {  	[sflag:s22] =	ssyncset.done $0x0  }
0xa4: {  	[sflag:s22] =	ssyncadd.s32 $0xFFFFC180  }
0xa5: {  	[hbm4b:s19+s2] =	stream.linear.scatter [tilespmem:s29], [sflag:$0x7], $0x3E80, $0x38;
	[tilespmem:$0x12880] =	vst v63  }
0xa6: {  	s10 =	sadd.s32 $0x1F40, s20;
	s8 =	simm.s32 $0x800;
	_ =	swait.ge [sflag:s25], $0x3E80  }
0xa7: {  	s9 =	sadd.s32 $0x1F40, s19;
	s11 =	sadd.s32 $0x1F40, s16;
	[sflag:s25] =	ssyncset.done $0x0  }
0xa8: {  	s12 =	sadd.s32 $0x1F40, s18;
	s14 =	smov.u32 s18;
	[sflag:s25] =	ssyncadd.s32 $0xFFFFC180  }
.LBB2_4:
0xa9: {  	[hbm4b:s14+s2] =	stream.linear.scatter [tilespmem:s31], [sflag:$0x8], $0x3E80, $0x38;
	[tilespmem:$0x12880] =	vst v63  }
0xaa: {  	s13 =	smov.u32 s8;
	s14 =	smov.u32 s12  }
0xab: {  	p0 =	sne.s32 s8, $0x9000;
	s8 =	sadd.s32 $0x800, s8;
	_ =	swait.ge [sflag:s28], $0x3E80  }
0xac: {  	s13 =	sshra.s32 s13, $0x2;
	[sflag:s28] =	ssyncset.done $0x0  }
0xad: {  	s15 =	sadd.s32 $0x880, s13;
	[sflag:s28] =	ssyncadd.s32 $0xFFFFC180  }
0xae: {  	[tilespmem:s24], [sflag:$0x1] =	stream.indirect.gather [hbm4b:s4+s23], $0x80, s15, s23, $0xb8;
	[tilespmem:$0x12880] =	vst v63  }
0xaf: {  	_ =	swait.ge [sflag:s30], $0x3E80  }
0xb0: {  	[sflag:s30] =	ssyncset.done $0x0  }
0xb1: {  	s15 =	sadd.s32 $0x900, s13;
	[sflag:s30] =	ssyncadd.s32 $0xFFFFC180  }
0xb2: {  	[tilespmem:s26], [sflag:$0x2] =	stream.indirect.gather [hbm4b:s4+s23], $0x80, s15, s23, $0xb8;
	[tilespmem:$0x12880] =	vst v63  }
0xb3: {  	_ =	swait.ge [sflag:s5], $0x3E80  }
0xb4: {  	[sflag:s5] =	ssyncset.done $0x0  }
0xb5: {  	s15 =	sadd.s32 $0x980, s13;
	[sflag:s5] =	ssyncadd.s32 $0xFFFFC180  }
0xb6: {  	[tilespmem:s29], [sflag:$0x3] =	stream.indirect.gather [hbm4b:s4+s23], $0x80, s15, s23, $0xb8;
	[tilespmem:$0x12880] =	vst v63  }
0xb7: {  	_ =	swait.ge [sflag:s6], $0x3E80  }
0xb8: {  	[sflag:s6] =	ssyncset.done $0x0  }
0xb9: {  	s13 =	sadd.s32 $0xA00, s13;
	[sflag:s6] =	ssyncadd.s32 $0xFFFFC180  }
0xba: {  	[tilespmem:s31], [sflag:$0x4] =	stream.indirect.gather [hbm4b:s4+s23], $0x80, s13, s23, $0xb8;
	[tilespmem:$0x12880] =	vst v63  }
0xbb: {  	_ =	swait.ge [sflag:s1], $0x3E80  }
0xbc: {  	[sflag:s1] =	ssyncset.done $0x0  }
0xbd: {  	[sflag:s1] =	ssyncadd.s32 $0xFFFFC180  }
0xbe: {  	[hbm4b:s11+s2] =	stream.linear.scatter [tilespmem:s24], [sflag:$0x5], $0x3E80, $0x38;
	[tilespmem:$0x12880] =	vst v63  }
0xbf: {  	_ =	swait.ge [sflag:s0], $0x3E80  }
0xc0: {  	[sflag:s0] =	ssyncset.done $0x0  }
0xc1: {  	[sflag:s0] =	ssyncadd.s32 $0xFFFFC180  }
0xc2: {  	[hbm4b:s10+s2] =	stream.linear.scatter [tilespmem:s26], [sflag:$0x6], $0x3E80, $0x38;
	[tilespmem:$0x12880] =	vst v63  }
0xc3: {  	_ =	swait.ge [sflag:s22], $0x3E80  }
0xc4: {  	[sflag:s22] =	ssyncset.done $0x0  }
.Ltmp1:
0xc5: {  	[sflag:s22] =	ssyncadd.s32 $0xFFFFC180;
	(pc) =	sbr.rel @p0 .LBB2_4-.Ltmp1, $4  }
0xc6: {  	[hbm4b:s9+s2] =	stream.linear.scatter [tilespmem:s29], [sflag:$0x7], $0x3E80, $0x38;
	[tilespmem:$0x12880] =	vst v63  }
0xc7: {  	_ =	swait.ge [sflag:s25], $0x3E80  }
0xc8: {  	s10 =	sadd.s32 $0x1F40, s10;
	s9 =	sadd.s32 $0x1F40, s9;
	[sflag:s25] =	ssyncset.done $0x0  }
0xc9: {  	s12 =	sadd.s32 $0x1F40, s12;
	s11 =	sadd.s32 $0x1F40, s11;
	[sflag:s25] =	ssyncadd.s32 $0xFFFFC180  }
0xca: {  	[hbm4b:s14+s2] =	stream.linear.scatter [tilespmem:s31], [sflag:$0x8], $0x3E80, $0x38;
	[tilespmem:$0x12880] =	vst v63  }
0xcb: {  	_ =	swait.ge [sflag:s28], $0x3E80  }
0xcc: {  	[sflag:s28] =	ssyncset.done $0x0  }
0xcd: {  	[sflag:s28] =	ssyncadd.s32 $0xFFFFC180  }
0xce: {  	_ =	swait.ge [sflag:s30], $0x3E80  }
0xcf: {  	[sflag:s30] =	ssyncset.done $0x0  }
0xd0: {  	[sflag:s30] =	ssyncadd.s32 $0xFFFFC180  }
0xd1: {  	_ =	swait.ge [sflag:s5], $0x3E80  }
0xd2: {  	[sflag:s5] =	ssyncset.done $0x0  }
0xd3: {  	[sflag:s5] =	ssyncadd.s32 $0xFFFFC180  }
0xd4: {  	_ =	swait.ge [sflag:s6], $0x3E80  }
0xd5: {  	s7 =	sadd.s32 $0x1, s7;
	s8 =	rddreg [dreg:$0xa]  }
0xd6: {  	p0 =	sne.s32 s7, s8  }
.Ltmp2:
0xd7: {  	_ = 	snop;
	(pc) =	sbr.rel @p0 .LBB2_1-.Ltmp2, $3  }
0xd8: {  	_ =	sdelay $0x1  }
0xd9: {  	[sflag:s6] =	ssyncset.done $0x0  }
0xda: {  	[sflag:s6] =	ssyncadd.s32 $0xFFFFC180  }
0xdb: {  	_ =	sfence.sel $0x180000  }
0xdc: {  	[bflag:$0x0] =	sbarrier.arrive $0xFFFF  }
0xdd: {  	_ =	strace $0x9000004A  }
0xde: {  	s0 =	stileid.u32;
	[bflag:$0x2] =	sbarrier.arrive $0xFFFF  }
0xdf: {  	p0 =	sne.s32 s0, $0x0;
	s0 =	rddreg [dreg:$0x2]  }
0xe0: {  	s0 =	sadd.s32 @!p0 $0x100000, s0  }
0xe1: {  	[sflag:s0] =	ssyncadd.tile.s32 @!p0 $0x1;
	_ =	shalt  }
.Lfunc_end2:
_tile_overlayer_lowered:
.L_overlay_start_2:
0xe2: {  	(tag) =	ssettag $0x2  }
0xe3: {  	s0 =	rddreg [dreg:$0x0];
	s2 =	stileid.u32  }
0xe4: {  	s1 =	rddreg [dreg:$0x1];
	p0 =	sne.s32 s2, $0x0  }
0xe5: {  	s3 =	rddreg [dreg:$0x2];
	[bflag:$0x3] =	sbarrier.arrive $0xFFFF;
	s2 =	simm.s32 @!p0 $0x1C09  }
0xe6: {  	[timem:s3], [sflag:s2] =	dma.local @!p0 [hbm:s0], s1  }
0xe7: {  	s0 =	simm.s32 @!p0 $0x9  }
0xe8: {  	_ =	swait.ge @!p0 [sflag:s0], s1  }
0xe9: {  	s1 =	ssub.s32 @!p0 $0x0, s1;
	[sflag:s0] =	ssyncset.done @!p0 $0x0  }
0xea: {  	[sflag:s0] =	ssyncadd.s32 @!p0 s1  }
0xeb: {  	[bflag:$0x3] =	sbarrier.arrive $0xFFFF  }
0xec: {  	_ =	shalt  }

// kernel: sparse-core-data-format-call.cloned.1.call-start
scs
called_computation_lowered:
.L_overlay_start_0:
0x0: {  	s2 =	sld [smem:$0x3FD9]  }
0x1: {  	s3 =	sld [smem:$0x3FFE];
	_ =	sdelay $0x1  }
0x2: {  	s1 =	srdreg.scid  }
0x3: {  	s0 =	sand.u32 $0x1, s1  }
0x4: {  	s18 =	sshll.u32 s0, $0xA;
	s2 =	sadd.s32 s3, s2  }
0x5: {  	s2 =	sadd.s32 s2, s18  }
0x6: {  	[smem:$0x3FC4] =	sst s2  }
0x7: {  	_ = 	snop  }
0x8: {  	s2 =	sld [smem:$0x3FC8];
	(tm) =	ssettm $0x1  }
0x9: {  	s19 =	sld [smem:$0x3FFB];
	_ =	sdelay $0x3  }
0xa: {  	_ =	strace s19  }
0xb: {  	s3 =	sld [smem:$0x3FFC];
	_ =	sdelay $0x3  }
0xc: {  	_ =	strace s3  }
0xd: {  	s3 =	sld [smem:$0x3FFD];
	_ =	sdelay $0x3  }
0xe: {  	_ =	strace s3  }
0xf: {  	_ =	strace $0x8FFFFFFF  }
0x10: {  	s20 =	sld [smem:$0x3FDB];
	_ =	sdelay $0x1  }
0x11: {  	s4 =	simm.s32 $_scs_section_size  }
0x12: {  	s5 =	simm.s32 $_size__tile_overlayer_lowered;
	s6 =	simm.s32 $_tile_overlayer_lowered  }
0x13: {  	s23 =	simm.s32 $0x1BFF;
	s22 =	sshll.u32 s6, $0x1;
	s3 =	sadd.s32 s4, s20  }
0x14: {  	s7 =	simm.s32 $0x0;
	s21 =	sshll.u32 s5, $0x1;
	s5 =	sadd.s32 s22, s3  }
0x15: {  	[timem:s7], [sflag:s23] =	dma.local [hbm:s5], s21  }
0x16: {  	_ =	swait.ge [sflag:s23], s21  }
0x17: {  	s4 =	ssub.s32 $0x0, s21;
	[sflag:s23] =	ssyncset.done $0x0  }
0x18: {  	[sflag:s23] =	ssyncadd.s32 s4;
	_ =	sdelay $0x1  }
0x19: {  	s24 =	simm.s32 $0x1B8B  }
0x1a: {  	_ =	swait.ge [sflag:s24], $0x1  }
0x1b: {  	[sflag:s24] =	ssyncset.done $0x0  }
0x1c: {  	s26 =	simm.s32 $0x1B8E;
	s25 =	sld [smem:$0x3FFE];
	[sflag:s24] =	ssyncadd.s32 $0xFFFFFFFF  }
0x1d: {  	s27 =	simm.s32 $execute0_lowered;
	[smem:$0x3FD2] =	sst s26  }
0x1e: {  	s5 =	sshll.u32 s27, $0x1;
	_ =	strace $0x80000046;
	[dreg:$0x1] =	wrdreg $0xFFFFFFFF  }
0x1f: {  	s28 =	simm.s32 $_size_execute0_lowered;
	s3 =	sadd.s32 s3, s5;
	[dreg:$0x0] =	wrdreg $0x0  }
0x20: {  	s5 =	sshll.u32 s28, $0x1;
	[dreg:$0x2] =	wrdreg s3  }
0x21: {  	[dreg:$0x3] =	wrdreg s5  }
0x22: {  	[dreg:$0x4] =	wrdreg $0xC0  }
0x23: {  	_ =	task [dreg:s7], $0x5FFFF  }
0x24: {  	[dreg:$0x1] =	wrdreg $0xFFFFFFFF  }
0x25: {  	[dreg:$0x0] =	wrdreg $0x60  }
0x26: {  	[dreg:$0x2] =	wrdreg s2  }
0x27: {  	[dreg:$0x3] =	wrdreg s25  }
0x28: {  	[dreg:$0x4] =	wrdreg $0x9  }
0x29: {  	_ =	task.clear_ibuf [dreg:s7], $0x5FFFF;
	_ =	strace $0x90000046  }
0x2a: {  	s29 =	simm.s32 $0x9;
	_ =	strace $0x80000048  }
0x2b: {  	_ =	swait.ge [sflag:s29], $0x1  }
0x2c: {  	[sflag:s29] =	ssyncadd.s32 $0xFFFFFFFF  }
0x2d: {  	_ =	strace $0x90000048  }
0x2e: {  	_ =	sfence  }
0x2f: {  	s30 =	sld [smem:$0x0];
	_ =	sdelay $0x2  }
0x30: {  	s31 =	sshll.u32 s1, $0xD;
	s1 =	sshrl.u32 s1, $0x2  }
0x31: {  	s3 =	sand.u32 $0x4000, s31;
	s1 =	sadd.s32 s1, s30  }
0x32: {  	s0 =	sor.u32 s3, s0;
	s1 =	sshll.u32 s1, $0x11  }
0x33: {  	s0 =	sor.u32 s1, s0  }
0x34: {  	s0 =	sadd.s32 $0x8F2B, s0  }
0x35: {  	[sflag:s0] =	ssyncadd.remote.s32 $0x1  }
0x36: {  	_ =	sfence.sel $0xFFFF  }
0x37: {  	[dreg:$0x0] =	wrdreg $0xFFFFFFFF;
	(pc) =	sbr.abs _section_cstart, $3  }
0x38: {  	[dreg:$0x1] =	wrdreg $0xFFFFFFFF  }
0x39: {  	_ =	task.clear_ibuf [dreg:s7], $0x2FFFF;
	_ =	strace $0x9FFFFFFF  }
0x3a: {  	(tm) =	ssettm $0x7FFFFFFF  }
0x3b: {  	_ =	shalt  }
tec
execute0_lowered:
.L_overlay_start_1:
0x0: {  	(tag) =	ssettag $0x1  }
0x1: {  	s0 =	srdreg.scid  }
0x2: {  	s1 =	sshll.u32 s0, $0x4  }
0x3: {  	s2 =	rddreg [dreg:$0x0];
	s0 =	stileid.u32;
	s1 =	sand.u32 $0x10, s1  }
0x4: {  	s4 =	rddreg [dreg:$0x1];
	s7 =	simm.s32 $0x1;
	s1 =	sor.u32 s0, s1  }
0x5: {  	s8 =	simm.s32 $0x2;
	s9 =	simm.s32 $0x0;
	s3 =	sshll.u32 s1, $0x2  }
0x6: {  	s12 =	simm.s32 $0x0;
	s11 =	simm.s32 $0x0;
	s6 =	ssub.s32 $0x1820, s3  }
.Ltmp0:
0x7: {  	s4 =	sadd.s32 $0x1000, s4;
	s5 =	sand.u32 $0x7C, s6;
	(pc) =	sbr.rel .LBB1_1-.Ltmp0, $4  }
0x8: {  	s1 =	rddreg [dreg:$0x2];
	_ =	strace $0x80000047;
	p0 =	sne.s32 s5, $0x0  }
0x9: {  	s6 =	sshrl.u32 s6, $0x7;
	s5 =	simm.s32 $0x1;
	s7 =	simm.s32 @!p0 $0x0  }
0xa: {  	s10 =	smov.u32 s3;
	[sflag:s5] =	ssyncpa.u1 $0x0;
	s6 =	sadd.s32 s7, s6  }
0xb: {  	[sflag:s8] =	ssyncpa.u1 $0x0;
	s8 =	simm.s32 $0x0;
	s7 =	sadd.s32 $0x1, s6  }
.LBB1_9:
0xc: {  	s14 =	sadd.s32 $0x80, s10  }
0xd: {  	p1 =	sgt.s32 s14, $0x181F  }
0xe: {  	s14 =	smov.u32 @p1 s3;
	p1 =	sne.s32 s11, s7  }
.Ltmp1:
0xf: {  	p0 =	slt.u32 s11, $0x2;
	(pc) =	sbr.rel @!p1 .LBB1_10-.Ltmp1, $4  }
0x10: {  	s13 =	simm.s32 @!p0 $0x2  }
0x11: {  	s15 =	sadd.s32 $0x1, s11;
	_ =	swait.ge @!p0 [sflag:s13], $0x4000  }
0x12: {  	s12 =	smov.u32 s10;
	s9 =	sadd.s32 $0x4000, s9;
	[sflag:s13] =	ssyncset.done @!p0 $0x0  }
0x13: {  	s11 =	smov.u32 s15;
	s10 =	smov.u32 s14;
	[sflag:s13] =	ssyncadd.s32 @!p0 $0xFFFFC000  }
.LBB1_1:
0x14: {  	p0 =	sge.u32 s11, s6  }
0x15: {  	s13 =	sxor.u32 @!p0 $0xFFFFFFFF, s11  }
0x16: {  	s31 =	sadd.s32 $0xFFFFFFFF, s11;
	s14 =	sshll.u32 @!p0 s10, $0x9;
	s13 =	sshll.u32 @!p0 s13, $0xE  }
0x17: {  	s15 =	simm.s32 @!p0 $0x0;
	s14 =	sadd.s32 @!p0 s2, s14;
	s13 =	sand.u32 @!p0 $0x4000, s13  }
0x18: {  	[tilespmem:s13], [sflag:$0x1] =	stream.linear.gather @!p0 [hbm4b:s14+s15], $0x4000, $0x38;
	[tilespmem:$0x10000] =	vst v63  }
0x19: {  	p0 =	sge.u32 s31, s6  }
.Ltmp2:
0x1a: {  	_ = 	snop;
	(pc) =	sbr.rel @p0 .LBB1_9-.Ltmp2, $1  }
0x1b: {  	_ =	sdelay $0x3  }
0x1c: {  	s14 =	sand.u32 $0x4000, s9  }
0x1d: {  	_ =	swait.ge [sflag:s5], $0x4000;
	s15 =	sshll.u32 s11, $0xE;
	s16 =	simm.s32 $0x0  }
0x1e: {  	s13 =	sor.u32 $0x40, s14;
	[sflag:s5] =	ssyncset.done $0x0;
	s15 =	sand.u32 $0x4000, s15  }
0x1f: {  	s14 =	sor.u32 $0x8040, s14;
	[sflag:s5] =	ssyncadd.s32 $0xFFFFC000;
	s15 =	sor.u32 $0x8000, s15  }
.LBB1_3:
0x20: {  	s17 =	smov.u32 s14;
	s18 =	smov.u32 s13;
	s19 =	simm.s32 $0x0  }
.LBB1_4:
0x21: {  	v0 =	vmov s17;
	v2 =	vld [tilespmem:s18+$0x30]  }
0x22: {  	v4 =	vld [tilespmem:s18+$0xFFFFFFD0]  }
0x23: {  	v6 =	vld [tilespmem:s18+$0xFFFFFFE0]  }
0x24: {  	v7 =	vld [tilespmem:s18+$0xFFFFFFF0]  }
0x25: {  	s20 =	simm.s32 $0x0;
	v1 =	vld [tilespmem:s18+$0x0]  }
0x26: {  	v3 =	vld [tilespmem:s18+$0x10];
	[tilespmem:v0+s20+$0x30 ss:$0x1] =	vst.idx.msk $0xffff, v2  }
0x27: {  	v5 =	vld [tilespmem:s18+$0x20];
	[tilespmem:v0+s20+$0xFFFFFFD0 ss:$0x1] =	vst.idx.msk $0xffff, v4  }
0x28: {  	s21 =	sadd.s32 $0x80, s18;
	v2 =	vld [tilespmem:s18+$0xFFFFFFC0];
	[tilespmem:v0+s20+$0xFFFFFFE0 ss:$0x1] =	vst.idx.msk $0xffff, v6  }
0x29: {  	s22 =	simm.s32 $0x800;
	s23 =	simm.s32 $0x1000;
	v4 =	vld [tilespmem:s21+$0x30];
	[tilespmem:v0+s20+$0xFFFFFFF0 ss:$0x1] =	vst.idx.msk $0xffff, v7  }
.LBB1_5:
0x2a: {  	p0 =	sne.s32 s23, $0x3800;
	v6 =	vld [tilespmem:s21+$0xFFFFFFD0];
	[tilespmem:v0+s20+$0x0 ss:$0x1] =	vst.idx.msk $0xffff, v1  }
0x2b: {  	v7 =	vld [tilespmem:s21+$0xFFFFFFE0];
	[tilespmem:v0+s20+$0x10 ss:$0x1] =	vst.idx.msk $0xffff, v3  }
0x2c: {  	v8 =	vld [tilespmem:s21+$0xFFFFFFF0];
	[tilespmem:v0+s20+$0x20 ss:$0x1] =	vst.idx.msk $0xffff, v5  }
.Ltmp3:
0x2d: {  	v1 =	vld [tilespmem:s21+$0x0];
	[tilespmem:v0+s20+$0xFFFFFFC0 ss:$0x1] =	vst.idx.msk $0xffff, v2;
	s20 =	sshra.s32 s22, $0x2;
	s22 =	smov.u32 s23;
	(pc) =	sbr.rel @p0 .LBB1_5-.Ltmp3, $4  }
0x2e: {  	v3 =	vld [tilespmem:s21+$0x10];
	[tilespmem:v0+s20+$0x30 ss:$0x1] =	vst.idx.msk $0xffff, v4  }
0x2f: {  	[tilespmem:v0+s20+$0xFFFFFFD0 ss:$0x1] =	vst.idx.msk $0xffff, v6;
	v5 =	vld [tilespmem:s21+$0x20]  }
0x30: {  	v2 =	vld [tilespmem:s21+$0xFFFFFFC0];
	[tilespmem:v0+s20+$0xFFFFFFE0 ss:$0x1] =	vst.idx.msk $0xffff, v7;
	s21 =	sadd.s32 $0x80, s21  }
0x31: {  	s23 =	sadd.s32 $0x800, s23;
	v4 =	vld [tilespmem:s21+$0x30];
	[tilespmem:v0+s20+$0xFFFFFFF0 ss:$0x1] =	vst.idx.msk $0xffff, v8  }
0x32: {  	_ =	sdelay $0x3  }
0x33: {  	v6 =	vld [tilespmem:s21+$0xFFFFFFD0];
	[tilespmem:v0+s20+$0x0 ss:$0x1] =	vst.idx.msk $0xffff, v1  }
0x34: {  	v58 =	vld [tilespmem:s21+$0xFFFFFFE0];
	[tilespmem:v0+s20+$0x10 ss:$0x1] =	vst.idx.msk $0xffff, v3  }
0x35: {  	v59 =	vld [tilespmem:s21+$0xFFFFFFF0];
	[tilespmem:v0+s20+$0x20 ss:$0x1] =	vst.idx.msk $0xffff, v5  }
0x36: {  	s22 =	sshra.s32 s22, $0x2;
	v60 =	vld [tilespmem:s21+$0x0];
	[tilespmem:v0+s20+$0xFFFFFFC0 ss:$0x1] =	vst.idx.msk $0xffff, v2  }
0x37: {  	v61 =	vld [tilespmem:s21+$0x10];
	[tilespmem:v0+s22+$0x30 ss:$0x1] =	vst.idx.msk $0xffff, v4  }
0x38: {  	v62 =	vld [tilespmem:s21+$0x20];
	s19 =	sadd.s32 $0x1, s19;
	[tilespmem:v0+s22+$0xFFFFFFD0 ss:$0x1] =	vst.idx.msk $0xffff, v6  }
0x39: {  	v63 =	vld [tilespmem:s21+$0xFFFFFFC0];
	p0 =	sne.s32 s19, $0x4;
	[tilespmem:v0+s22+$0xFFFFFFE0 ss:$0x1] =	vst.idx.msk $0xffff, v58  }
.Ltmp4:
0x3a: {  	[tilespmem:v0+s22+$0xFFFFFFF0 ss:$0x1] =	vst.idx.msk $0xffff, v59;
	(pc) =	sbr.rel @p0 .LBB1_4-.Ltmp4, $4  }
0x3b: {  	[tilespmem:v0+s22+$0x0 ss:$0x1] =	vst.idx.msk $0xffff, v60  }
0x3c: {  	[tilespmem:v0+s22+$0x10 ss:$0x1] =	vst.idx.msk $0xffff, v61  }
0x3d: {  	[tilespmem:v0+s22+$0x20 ss:$0x1] =	vst.idx.msk $0xffff, v62  }
0x3e: {  	s18 =	sadd.s32 $0x400, s18;
	s17 =	sadd.s32 $0x80, s17;
	[tilespmem:v0+s22+$0xFFFFFFC0 ss:$0x1] =	vst.idx.msk $0xffff, v63  }
0x3f: {  	s16 =	sadd.s32 $0x1, s16  }
0x40: {  	p0 =	sne.s32 s16, $0x4  }
.Ltmp5:
0x41: {  	_ = 	snop;
	(pc) =	sbr.rel @p0 .LBB1_3-.Ltmp5, $2  }
0x42: {  	_ =	sdelay $0x2  }
0x43: {  	s13 =	sadd.s32 $0x1000, s13;
	s14 =	sadd.s32 $0x1000, s14  }
.Ltmp6:
0x44: {  	(pc) =	sbr.rel .LBB1_9-.Ltmp6, $4  }
0x45: {  	_ = 	snop  }
0x46: {  	s12 =	sshll.u32 s12, $0x9  }
0x47: {  	s12 =	sadd.s32 s4, s12  }
0x48: {  	[hbm4b:s12+s8] =	stream.linear.scatter [tilespmem:s15], [sflag:$0x2], $0x4000, $0x38;
	[tilespmem:$0x10000] =	vst v63  }
.LBB1_10:
0x49: {  	_ =	sfence.sel $0x180000  }
0x4a: {  	s2 =	simm.s32 $0x1;
	[bflag:$0x0] =	sbarrier.arrive $0xFFFF  }
0x4b: {  	s31 =	simm.s32 $0x2;
	[sflag:s2] =	ssyncpa.u1 $0x1  }
0x4c: {  	[sflag:s31] =	ssyncpa.u1 $0x1  }
0x4d: {  	p0 =	sne.s32 s0, $0x0;
	_ =	strace $0x90000047  }
0x4e: {  	s0 =	sadd.s32 @!p0 $0x100000, s1;
	[bflag:$0x2] =	sbarrier.arrive $0xFFFF  }
0x4f: {  	[sflag:s0] =	ssyncadd.tile.s32 @!p0 $0x1;
	_ =	shalt  }
.Lfunc_end1:
_tile_overlayer_lowered:
.L_overlay_start_2:
0x50: {  	(tag) =	ssettag $0x2  }
0x51: {  	s0 =	rddreg [dreg:$0x0];
	s2 =	stileid.u32  }
0x52: {  	s1 =	rddreg [dreg:$0x1];
	p0 =	sne.s32 s2, $0x0  }
0x53: {  	s3 =	rddreg [dreg:$0x2];
	[bflag:$0x3] =	sbarrier.arrive $0xFFFF;
	s2 =	simm.s32 @!p0 $0x1C01  }
0x54: {  	[timem:s3], [sflag:s2] =	dma.local @!p0 [hbm:s0], s1  }
0x55: {  	s0 =	simm.s32 @!p0 $0x1  }
0x56: {  	_ =	swait.ge @!p0 [sflag:s0], s1  }
0x57: {  	s1 =	ssub.s32 @!p0 $0x0, s1;
	[sflag:s0] =	ssyncset.done @!p0 $0x0  }
0x58: {  	[sflag:s0] =	ssyncadd.s32 @!p0 s1  }
0x59: {  	[bflag:$0x3] =	sbarrier.arrive $0xFFFF  }
0x5a: {  	_ =	shalt  }

</sc_bundles>
